<compile_context>
chip_gen: v7x
topology: tpu7x:2x2x1
jax: 0.10.2.dev20260603
libtpu: 0.0.44.dev20260713+nightly
codegen_flags: <defaults>
</compile_context>

<pallas_src>
import functools

import jax
import jax.numpy as jnp
from jax import lax
from jax.experimental import pallas as pl
from jax.experimental.pallas import tpu as pltpu
from jax.experimental.pallas import tpu_sc as plsc

_B, _N, _F = 4096, 32, 256
_NC, _NS, _L = 2, 16, 16
_NW = _NC * _NS
_RPW = _B // _NW

_mesh = plsc.VectorSubcoreMesh(core_axis_name="c", subcore_axis_name="s")


@functools.partial(
    pl.kernel,
    mesh=_mesh,
    out_type=jax.ShapeDtypeStruct((_B, 2), jnp.float32),
    scratch_types=[
        pltpu.VMEM((_RPW, _F), jnp.float32),
        pltpu.VMEM((_RPW, 2), jnp.float32),
        pltpu.SemaphoreType.DMA,
        pltpu.SemaphoreType.DMA,
        pltpu.SemaphoreType.DMA,
    ],
    compiler_params=pltpu.CompilerParams(needs_layout_passes=False),
)
def _person_rule_sc(x_hbm, out_hbm, rows_v, y_v, sem0, sem1, osem):
    wid = lax.axis_index("s") * _NC + lax.axis_index("c")
    base = wid * _RPW
    iota = lax.broadcasted_iota(jnp.int32, (_L,), 0)
    sems = (sem0, sem1)
    nch = _RPW // _L
    copies = []
    for i in range(nch):
        idx = (base + i * _L + iota) * _N + 2
        copies.append(
            pltpu.async_copy(
                x_hbm.at[idx], rows_v.at[pl.ds(i * _L, _L)], sems[i % 2]
            )
        )
    zeros = jnp.zeros((_L,), jnp.int32)
    ones = jnp.ones((_L,), jnp.int32)
    outcopies = []
    for i in range(nch):
        copies[i].wait()
        ridx = iota + (i * _L)
        v0 = plsc.load_gather(rows_v, [ridx, zeros])
        v1 = plsc.load_gather(rows_v, [ridx, ones])
        t0 = jnp.where(v0 > 0, 1.0, v0)
        t1 = jnp.where(v1 > 0, 1.0, v1)
        zb = t0 + t1
        y1 = jnp.where(zb > 0, 100.0, -100.0)
        plsc.store_scatter(y_v, [ridx, zeros], -y1)
        plsc.store_scatter(y_v, [ridx, ones], y1)
        outcopies.append(
            pltpu.async_copy(
                y_v.at[pl.ds(i * _L, _L)],
                out_hbm.at[pl.ds(base + i * _L, _L)],
                osem,
            )
        )
    for cp in outcopies:
        cp.wait()


def kernel(x, adj_mat):
    del adj_mat
    return _person_rule_sc(x.reshape(_B * _N, _F))

# --- scband reference (transcript-rebuilt; emitter-appended) ---
"""Pipeline reference for scband-person-rule-43215960933052 (READ-ONLY COPY).

The authoritative reference and input builder live on the scoring server;
editing this copy changes nothing except your own understanding.
"""

import jax, jax.numpy as jnp
import numpy as np


def setup_inputs(seed: int = 0) -> dict:
    key = jax.random.key(seed)
    k1, k2 = jax.random.split(key)
    B, N, F = 4096, 32, 256
    x = jax.random.uniform(k1, (B, N, F), dtype=jnp.float32)
    adj_mat = jax.random.normal(k2, (B, N, N), dtype=jnp.float32)
    return {"x": x, "adj_mat": adj_mat}


def reference(x, adj_mat):
    B, N, F = x.shape
    # person_mask: zeros(1, N, F) with row 2 set to 1.0 (scatter-overwrite)
    person_mask = jnp.zeros((1, N, F), dtype=x.dtype).at[:, 2, :].set(1.0)
    x_masked = x * person_mask
    z = x_masked[:, 2, :]
    z = jnp.where(z > 0, 1.0, z)
    zb = z[:, 0] + z[:, 1]
    # y = ones(B,2)*-100; y[zb==0,0]=100; y[zb>0,1]=100  (boolean scatter into memory)
    y0 = jnp.where(zb == 0, 100.0, -100.0).astype(jnp.float32)
    y1 = jnp.where(zb > 0, 100.0, -100.0).astype(jnp.float32)
    y = jnp.stack([y0, y1], axis=1)
    return y

if __name__ == "__main__":
    import jax
    _d = setup_inputs()
    print(jax.jit(kernel)(*tuple(_d.values())))

</pallas_src>

<mosaic_0001>
#map = affine_map<(d0, d1) -> (0, 0)>
module attributes {stable_mosaic.version = 14 : i64} {
  func.func @_person_rule_sc(%arg0: i32, %arg1: i32, %arg2: memref<131072x256xf32, #tpu.memory_space<hbm>>, %arg3: memref<4096x2xf32, #tpu.memory_space<hbm>>, %arg4: memref<128x256xf32, #tpu.memory_space<vmem>>, %arg5: memref<128x2xf32, #tpu.memory_space<vmem>>, %arg6: memref<!tpu.dma_semaphore, #tpu.memory_space<semaphore_mem>>, %arg7: memref<!tpu.dma_semaphore, #tpu.memory_space<semaphore_mem>>, %arg8: memref<!tpu.dma_semaphore, #tpu.memory_space<semaphore_mem>>) attributes {dimension_semantics = [#tpu.dimension_semantics<core_parallel>, #tpu.dimension_semantics<subcore_parallel>], iteration_bounds = array<i64: 2, 16>, scalar_prefetch = 0 : i64, scratch_operands = 5 : i64, tpu.core_type = #tpu.core_type<sc_vector_subcore>, window_params = [{transform_indices = #map}, {transform_indices = #map}]} {
    %mul3A = arith.constant 2 : i32
    %mul3A_0 = arith.muli %arg1, %mul3A : i32
    %add3A = arith.addi %mul3A_0, %arg0 : i32
    %mul3A_1 = arith.constant 128 : i32
    %mul3A_2 = arith.muli %add3A, %mul3A_1 : i32
    %iota3A = tpu.iota {dimensions = array<i32: 0>} : vector<16xi32>
    %add3A_3 = arith.constant 0 : i32
    %add3A_4 = arith.addi %mul3A_2, %add3A_3 : i32
    %add3A_5 = vector.broadcast %add3A_4 : i32 to vector<16xi32>
    %add3A_6 = arith.addi %add3A_5, %iota3A : vector<16xi32>
    %mul3A_7 = arith.constant 32 : i32
    %mul3A_8 = vector.broadcast %mul3A_7 : i32 to vector<16xi32>
    %mul3A_9 = arith.muli %add3A_6, %mul3A_8 : vector<16xi32>
    %add3A_10 = arith.constant 2 : i32
    %add3A_11 = vector.broadcast %add3A_10 : i32 to vector<16xi32>
    %add3A_12 = arith.addi %mul3A_9, %add3A_11 : vector<16xi32>
    %dma_start3A = arith.constant 0 : i32
    %dma_start3A_13 = arith.constant 0 : i32
    %dma_start3A_14 = tpu.memref_slice %arg4[%dma_start3A, %dma_start3A_13] : memref<128x256xf32, #tpu.memory_space<vmem>> -> memref<16x256xf32, #tpu.memory_space<vmem>>
    %dma_start3A_15 = arith.constant 0 : i32
    %dma_start3A_16 = arith.constant 0 : i32
    %dma_start3A_17 = tpu.memref_slice %arg2[%dma_start3A_15, %dma_start3A_16] : memref<131072x256xf32, #tpu.memory_space<hbm>> -> memref<131072x256xf32, #tpu.memory_space<hbm>>
    tpu.enqueue_indirect_dma source(%dma_start3A_17 : memref<131072x256xf32, #tpu.memory_space<hbm>>) target(%dma_start3A_14 : memref<16x256xf32, #tpu.memory_space<vmem>>) offsets(%add3A_12 : vector<16xi32>) semaphore(%arg6 : memref<!tpu.dma_semaphore, #tpu.memory_space<semaphore_mem>>)
    %add3A_18 = arith.constant 16 : i32
    %add3A_19 = arith.addi %mul3A_2, %add3A_18 : i32
    %add3A_20 = vector.broadcast %add3A_19 : i32 to vector<16xi32>
    %add3A_21 = arith.addi %add3A_20, %iota3A : vector<16xi32>
    %mul3A_22 = arith.constant 32 : i32
    %mul3A_23 = vector.broadcast %mul3A_22 : i32 to vector<16xi32>
    %mul3A_24 = arith.muli %add3A_21, %mul3A_23 : vector<16xi32>
    %add3A_25 = arith.constant 2 : i32
    %add3A_26 = vector.broadcast %add3A_25 : i32 to vector<16xi32>
    %add3A_27 = arith.addi %mul3A_24, %add3A_26 : vector<16xi32>
    %dma_start3A_28 = arith.constant 16 : i32
    %dma_start3A_29 = arith.constant 0 : i32
    %dma_start3A_30 = tpu.memref_slice %arg4[%dma_start3A_28, %dma_start3A_29] : memref<128x256xf32, #tpu.memory_space<vmem>> -> memref<16x256xf32, #tpu.memory_space<vmem>>
    %dma_start3A_31 = arith.constant 0 : i32
    %dma_start3A_32 = arith.constant 0 : i32
    %dma_start3A_33 = tpu.memref_slice %arg2[%dma_start3A_31, %dma_start3A_32] : memref<131072x256xf32, #tpu.memory_space<hbm>> -> memref<131072x256xf32, #tpu.memory_space<hbm>>
    tpu.enqueue_indirect_dma source(%dma_start3A_33 : memref<131072x256xf32, #tpu.memory_space<hbm>>) target(%dma_start3A_30 : memref<16x256xf32, #tpu.memory_space<vmem>>) offsets(%add3A_27 : vector<16xi32>) semaphore(%arg7 : memref<!tpu.dma_semaphore, #tpu.memory_space<semaphore_mem>>)
    %add3A_34 = arith.constant 32 : i32
    %add3A_35 = arith.addi %mul3A_2, %add3A_34 : i32
    %add3A_36 = vector.broadcast %add3A_35 : i32 to vector<16xi32>
    %add3A_37 = arith.addi %add3A_36, %iota3A : vector<16xi32>
    %mul3A_38 = arith.constant 32 : i32
    %mul3A_39 = vector.broadcast %mul3A_38 : i32 to vector<16xi32>
    %mul3A_40 = arith.muli %add3A_37, %mul3A_39 : vector<16xi32>
    %add3A_41 = arith.constant 2 : i32
    %add3A_42 = vector.broadcast %add3A_41 : i32 to vector<16xi32>
    %add3A_43 = arith.addi %mul3A_40, %add3A_42 : vector<16xi32>
    %dma_start3A_44 = arith.constant 32 : i32
    %dma_start3A_45 = arith.constant 0 : i32
    %dma_start3A_46 = tpu.memref_slice %arg4[%dma_start3A_44, %dma_start3A_45] : memref<128x256xf32, #tpu.memory_space<vmem>> -> memref<16x256xf32, #tpu.memory_space<vmem>>
    %dma_start3A_47 = arith.constant 0 : i32
    %dma_start3A_48 = arith.constant 0 : i32
    %dma_start3A_49 = tpu.memref_slice %arg2[%dma_start3A_47, %dma_start3A_48] : memref<131072x256xf32, #tpu.memory_space<hbm>> -> memref<131072x256xf32, #tpu.memory_space<hbm>>
    tpu.enqueue_indirect_dma source(%dma_start3A_49 : memref<131072x256xf32, #tpu.memory_space<hbm>>) target(%dma_start3A_46 : memref<16x256xf32, #tpu.memory_space<vmem>>) offsets(%add3A_43 : vector<16xi32>) semaphore(%arg6 : memref<!tpu.dma_semaphore, #tpu.memory_space<semaphore_mem>>)
    %add3A_50 = arith.constant 48 : i32
    %add3A_51 = arith.addi %mul3A_2, %add3A_50 : i32
    %add3A_52 = vector.broadcast %add3A_51 : i32 to vector<16xi32>
    %add3A_53 = arith.addi %add3A_52, %iota3A : vector<16xi32>
    %mul3A_54 = arith.constant 32 : i32
    %mul3A_55 = vector.broadcast %mul3A_54 : i32 to vector<16xi32>
    %mul3A_56 = arith.muli %add3A_53, %mul3A_55 : vector<16xi32>
    %add3A_57 = arith.constant 2 : i32
    %add3A_58 = vector.broadcast %add3A_57 : i32 to vector<16xi32>
    %add3A_59 = arith.addi %mul3A_56, %add3A_58 : vector<16xi32>
    %dma_start3A_60 = arith.constant 48 : i32
    %dma_start3A_61 = arith.constant 0 : i32
    %dma_start3A_62 = tpu.memref_slice %arg4[%dma_start3A_60, %dma_start3A_61] : memref<128x256xf32, #tpu.memory_space<vmem>> -> memref<16x256xf32, #tpu.memory_space<vmem>>
    %dma_start3A_63 = arith.constant 0 : i32
    %dma_start3A_64 = arith.constant 0 : i32
    %dma_start3A_65 = tpu.memref_slice %arg2[%dma_start3A_63, %dma_start3A_64] : memref<131072x256xf32, #tpu.memory_space<hbm>> -> memref<131072x256xf32, #tpu.memory_space<hbm>>
    tpu.enqueue_indirect_dma source(%dma_start3A_65 : memref<131072x256xf32, #tpu.memory_space<hbm>>) target(%dma_start3A_62 : memref<16x256xf32, #tpu.memory_space<vmem>>) offsets(%add3A_59 : vector<16xi32>) semaphore(%arg7 : memref<!tpu.dma_semaphore, #tpu.memory_space<semaphore_mem>>)
    %add3A_66 = arith.constant 64 : i32
    %add3A_67 = arith.addi %mul3A_2, %add3A_66 : i32
    %add3A_68 = vector.broadcast %add3A_67 : i32 to vector<16xi32>
    %add3A_69 = arith.addi %add3A_68, %iota3A : vector<16xi32>
    %mul3A_70 = arith.constant 32 : i32
    %mul3A_71 = vector.broadcast %mul3A_70 : i32 to vector<16xi32>
    %mul3A_72 = arith.muli %add3A_69, %mul3A_71 : vector<16xi32>
    %add3A_73 = arith.constant 2 : i32
    %add3A_74 = vector.broadcast %add3A_73 : i32 to vector<16xi32>
    %add3A_75 = arith.addi %mul3A_72, %add3A_74 : vector<16xi32>
    %dma_start3A_76 = arith.constant 64 : i32
    %dma_start3A_77 = arith.constant 0 : i32
    %dma_start3A_78 = tpu.memref_slice %arg4[%dma_start3A_76, %dma_start3A_77] : memref<128x256xf32, #tpu.memory_space<vmem>> -> memref<16x256xf32, #tpu.memory_space<vmem>>
    %dma_start3A_79 = arith.constant 0 : i32
    %dma_start3A_80 = arith.constant 0 : i32
    %dma_start3A_81 = tpu.memref_slice %arg2[%dma_start3A_79, %dma_start3A_80] : memref<131072x256xf32, #tpu.memory_space<hbm>> -> memref<131072x256xf32, #tpu.memory_space<hbm>>
    tpu.enqueue_indirect_dma source(%dma_start3A_81 : memref<131072x256xf32, #tpu.memory_space<hbm>>) target(%dma_start3A_78 : memref<16x256xf32, #tpu.memory_space<vmem>>) offsets(%add3A_75 : vector<16xi32>) semaphore(%arg6 : memref<!tpu.dma_semaphore, #tpu.memory_space<semaphore_mem>>)
    %add3A_82 = arith.constant 80 : i32
    %add3A_83 = arith.addi %mul3A_2, %add3A_82 : i32
    %add3A_84 = vector.broadcast %add3A_83 : i32 to vector<16xi32>
    %add3A_85 = arith.addi %add3A_84, %iota3A : vector<16xi32>
    %mul3A_86 = arith.constant 32 : i32
    %mul3A_87 = vector.broadcast %mul3A_86 : i32 to vector<16xi32>
    %mul3A_88 = arith.muli %add3A_85, %mul3A_87 : vector<16xi32>
    %add3A_89 = arith.constant 2 : i32
    %add3A_90 = vector.broadcast %add3A_89 : i32 to vector<16xi32>
    %add3A_91 = arith.addi %mul3A_88, %add3A_90 : vector<16xi32>
    %dma_start3A_92 = arith.constant 80 : i32
    %dma_start3A_93 = arith.constant 0 : i32
    %dma_start3A_94 = tpu.memref_slice %arg4[%dma_start3A_92, %dma_start3A_93] : memref<128x256xf32, #tpu.memory_space<vmem>> -> memref<16x256xf32, #tpu.memory_space<vmem>>
    %dma_start3A_95 = arith.constant 0 : i32
    %dma_start3A_96 = arith.constant 0 : i32
    %dma_start3A_97 = tpu.memref_slice %arg2[%dma_start3A_95, %dma_start3A_96] : memref<131072x256xf32, #tpu.memory_space<hbm>> -> memref<131072x256xf32, #tpu.memory_space<hbm>>
    tpu.enqueue_indirect_dma source(%dma_start3A_97 : memref<131072x256xf32, #tpu.memory_space<hbm>>) target(%dma_start3A_94 : memref<16x256xf32, #tpu.memory_space<vmem>>) offsets(%add3A_91 : vector<16xi32>) semaphore(%arg7 : memref<!tpu.dma_semaphore, #tpu.memory_space<semaphore_mem>>)
    %add3A_98 = arith.constant 96 : i32
    %add3A_99 = arith.addi %mul3A_2, %add3A_98 : i32
    %add3A_100 = vector.broadcast %add3A_99 : i32 to vector<16xi32>
    %add3A_101 = arith.addi %add3A_100, %iota3A : vector<16xi32>
    %mul3A_102 = arith.constant 32 : i32
    %mul3A_103 = vector.broadcast %mul3A_102 : i32 to vector<16xi32>
    %mul3A_104 = arith.muli %add3A_101, %mul3A_103 : vector<16xi32>
    %add3A_105 = arith.constant 2 : i32
    %add3A_106 = vector.broadcast %add3A_105 : i32 to vector<16xi32>
    %add3A_107 = arith.addi %mul3A_104, %add3A_106 : vector<16xi32>
    %dma_start3A_108 = arith.constant 96 : i32
    %dma_start3A_109 = arith.constant 0 : i32
    %dma_start3A_110 = tpu.memref_slice %arg4[%dma_start3A_108, %dma_start3A_109] : memref<128x256xf32, #tpu.memory_space<vmem>> -> memref<16x256xf32, #tpu.memory_space<vmem>>
    %dma_start3A_111 = arith.constant 0 : i32
    %dma_start3A_112 = arith.constant 0 : i32
    %dma_start3A_113 = tpu.memref_slice %arg2[%dma_start3A_111, %dma_start3A_112] : memref<131072x256xf32, #tpu.memory_space<hbm>> -> memref<131072x256xf32, #tpu.memory_space<hbm>>
    tpu.enqueue_indirect_dma source(%dma_start3A_113 : memref<131072x256xf32, #tpu.memory_space<hbm>>) target(%dma_start3A_110 : memref<16x256xf32, #tpu.memory_space<vmem>>) offsets(%add3A_107 : vector<16xi32>) semaphore(%arg6 : memref<!tpu.dma_semaphore, #tpu.memory_space<semaphore_mem>>)
    %add3A_114 = arith.constant 112 : i32
    %add3A_115 = arith.addi %mul3A_2, %add3A_114 : i32
    %add3A_116 = vector.broadcast %add3A_115 : i32 to vector<16xi32>
    %add3A_117 = arith.addi %add3A_116, %iota3A : vector<16xi32>
    %mul3A_118 = arith.constant 32 : i32
    %mul3A_119 = vector.broadcast %mul3A_118 : i32 to vector<16xi32>
    %mul3A_120 = arith.muli %add3A_117, %mul3A_119 : vector<16xi32>
    %add3A_121 = arith.constant 2 : i32
    %add3A_122 = vector.broadcast %add3A_121 : i32 to vector<16xi32>
    %add3A_123 = arith.addi %mul3A_120, %add3A_122 : vector<16xi32>
    %dma_start3A_124 = arith.constant 112 : i32
    %dma_start3A_125 = arith.constant 0 : i32
    %dma_start3A_126 = tpu.memref_slice %arg4[%dma_start3A_124, %dma_start3A_125] : memref<128x256xf32, #tpu.memory_space<vmem>> -> memref<16x256xf32, #tpu.memory_space<vmem>>
    %dma_start3A_127 = arith.constant 0 : i32
    %dma_start3A_128 = arith.constant 0 : i32
    %dma_start3A_129 = tpu.memref_slice %arg2[%dma_start3A_127, %dma_start3A_128] : memref<131072x256xf32, #tpu.memory_space<hbm>> -> memref<131072x256xf32, #tpu.memory_space<hbm>>
    tpu.enqueue_indirect_dma source(%dma_start3A_129 : memref<131072x256xf32, #tpu.memory_space<hbm>>) target(%dma_start3A_126 : memref<16x256xf32, #tpu.memory_space<vmem>>) offsets(%add3A_123 : vector<16xi32>) semaphore(%arg7 : memref<!tpu.dma_semaphore, #tpu.memory_space<semaphore_mem>>)
    %broadcast_in_dim3A = arith.constant 0 : i32
    %broadcast_in_dim3A_130 = vector.broadcast %broadcast_in_dim3A : i32 to vector<16xi32>
    %broadcast_in_dim3A_131 = arith.constant 1 : i32
    %broadcast_in_dim3A_132 = vector.broadcast %broadcast_in_dim3A_131 : i32 to vector<16xi32>
    %dma_wait3A = arith.constant 0 : i32
    %dma_wait3A_133 = arith.constant 0 : i32
    %dma_wait3A_134 = tpu.memref_slice %arg4[%dma_wait3A, %dma_wait3A_133] : memref<128x256xf32, #tpu.memory_space<vmem>> -> memref<16x256xf32, #tpu.memory_space<vmem>>
    %dma_wait3A_135 = arith.constant 0 : i32
    %dma_wait3A_136 = arith.constant 0 : i32
    %dma_wait3A_137 = tpu.memref_slice %arg2[%dma_wait3A_135, %dma_wait3A_136] : memref<131072x256xf32, #tpu.memory_space<hbm>> -> memref<131072x256xf32, #tpu.memory_space<hbm>>
    tpu.wait_indirect_dma semaphore(%arg6 : memref<!tpu.dma_semaphore, #tpu.memory_space<semaphore_mem>>) src(%dma_wait3A_137 : memref<131072x256xf32, #tpu.memory_space<hbm>>) dst(%dma_wait3A_134 : memref<16x256xf32, #tpu.memory_space<vmem>>)
    %add3A_138 = arith.constant 0 : i32
    %add3A_139 = vector.broadcast %add3A_138 : i32 to vector<16xi32>
    %add3A_140 = arith.addi %iota3A, %add3A_139 : vector<16xi32>
    %gather3A = tpu.vector_load_idx %arg4[%add3A_140, %broadcast_in_dim3A_130] : memref<128x256xf32, #tpu.memory_space<vmem>>[vector<16xi32>, vector<16xi32>], vector<16xf32>,
    %gather3A_141 = tpu.vector_load_idx %arg4[%add3A_140, %broadcast_in_dim3A_132] : memref<128x256xf32, #tpu.memory_space<vmem>>[vector<16xi32>, vector<16xi32>], vector<16xf32>,
    %gt3A = arith.constant 0.000000e+00 : f32
    %gt3A_142 = vector.broadcast %gt3A : f32 to vector<16xf32>
    %gt3A_143 = arith.cmpf ogt, %gather3A, %gt3A_142 : vector<16xf32>
    %jit3A = arith.constant 1.000000e+00 : f32
    %broadcast_in_dim3A_144 = vector.broadcast %jit3A : f32 to vector<16xf32>
    %select_n3A = arith.select %gt3A_143, %broadcast_in_dim3A_144, %gather3A : vector<16xi1>, vector<16xf32>
    %gt3A_145 = arith.constant 0.000000e+00 : f32
    %gt3A_146 = vector.broadcast %gt3A_145 : f32 to vector<16xf32>
    %gt3A_147 = arith.cmpf ogt, %gather3A_141, %gt3A_146 : vector<16xf32>
    %jit3A_148 = arith.constant 1.000000e+00 : f32
    %broadcast_in_dim3A_149 = vector.broadcast %jit3A_148 : f32 to vector<16xf32>
    %select_n3A_150 = arith.select %gt3A_147, %broadcast_in_dim3A_149, %gather3A_141 : vector<16xi1>, vector<16xf32>
    %add3A_151 = arith.addf %select_n3A, %select_n3A_150 : vector<16xf32>
    %gt3A_152 = arith.constant 0.000000e+00 : f32
    %gt3A_153 = vector.broadcast %gt3A_152 : f32 to vector<16xf32>
    %gt3A_154 = arith.cmpf ogt, %add3A_151, %gt3A_153 : vector<16xf32>
    %jit3A_155 = arith.constant 1.000000e+02 : f32
    %jit3A_156 = arith.constant -1.000000e+02 : f32
    %broadcast_in_dim3A_157 = vector.broadcast %jit3A_155 : f32 to vector<16xf32>
    %broadcast_in_dim3A_158 = vector.broadcast %jit3A_156 : f32 to vector<16xf32>
    %select_n3A_159 = arith.select %gt3A_154, %broadcast_in_dim3A_157, %broadcast_in_dim3A_158 : vector<16xi1>, vector<16xf32>
    %neg3A = arith.constant 0.000000e+00 : f32
    %neg3A_160 = vector.broadcast %neg3A : f32 to vector<16xf32>
    %neg3A_161 = arith.subf %neg3A_160, %select_n3A_159 : vector<16xf32>
    tpu.vector_store_idx %arg5[%add3A_140, %broadcast_in_dim3A_130], %neg3A_161 : memref<128x2xf32, #tpu.memory_space<vmem>>[vector<16xi32>, vector<16xi32>], vector<16xf32>,
    tpu.vector_store_idx %arg5[%add3A_140, %broadcast_in_dim3A_132], %select_n3A_159 : memref<128x2xf32, #tpu.memory_space<vmem>>[vector<16xi32>, vector<16xi32>], vector<16xf32>,
    %add3A_162 = arith.constant 0 : i32
    %add3A_163 = arith.addi %mul3A_2, %add3A_162 : i32
    %dma_start3A_164 = arith.constant 0 : i32
    %dma_start3A_165 = arith.constant 0 : i32
    %dma_start3A_166 = tpu.memref_slice %arg5[%dma_start3A_164, %dma_start3A_165] : memref<128x2xf32, #tpu.memory_space<vmem>> -> memref<16x2xf32, #tpu.memory_space<vmem>>
    %dma_start3A_167 = arith.constant 0 : i32
    %dma_start3A_168 = tpu.memref_slice %arg3[%add3A_163, %dma_start3A_167] : memref<4096x2xf32, #tpu.memory_space<hbm>> -> memref<16x2xf32, #tpu.memory_space<hbm>>
    %dma_start3A_169 = arith.constant 0 : i32
    %dma_start3A_170 = tpu.memref_slice %arg3[%add3A_163, %dma_start3A_169] : memref<4096x2xf32, #tpu.memory_space<hbm>> -> memref<16x2xf32, #tpu.memory_space<hbm>>
    %dma_start3A_171 = arith.constant 0 : i32
    %dma_start3A_172 = arith.constant 0 : i32
    %dma_start3A_173 = tpu.memref_slice %arg5[%dma_start3A_171, %dma_start3A_172] : memref<128x2xf32, #tpu.memory_space<vmem>> -> memref<16x2xf32, #tpu.memory_space<vmem>>
    tpu.enqueue_dma source(%dma_start3A_173 : memref<16x2xf32, #tpu.memory_space<vmem>>) target(%dma_start3A_170 : memref<16x2xf32, #tpu.memory_space<hbm>>) target_semaphore(%arg8 : memref<!tpu.dma_semaphore, #tpu.memory_space<semaphore_mem>>)
    %dma_wait3A_174 = arith.constant 16 : i32
    %dma_wait3A_175 = arith.constant 0 : i32
    %dma_wait3A_176 = tpu.memref_slice %arg4[%dma_wait3A_174, %dma_wait3A_175] : memref<128x256xf32, #tpu.memory_space<vmem>> -> memref<16x256xf32, #tpu.memory_space<vmem>>
    %dma_wait3A_177 = arith.constant 0 : i32
    %dma_wait3A_178 = arith.constant 0 : i32
    %dma_wait3A_179 = tpu.memref_slice %arg2[%dma_wait3A_177, %dma_wait3A_178] : memref<131072x256xf32, #tpu.memory_space<hbm>> -> memref<131072x256xf32, #tpu.memory_space<hbm>>
    tpu.wait_indirect_dma semaphore(%arg7 : memref<!tpu.dma_semaphore, #tpu.memory_space<semaphore_mem>>) src(%dma_wait3A_179 : memref<131072x256xf32, #tpu.memory_space<hbm>>) dst(%dma_wait3A_176 : memref<16x256xf32, #tpu.memory_space<vmem>>)
    %add3A_180 = arith.constant 16 : i32
    %add3A_181 = vector.broadcast %add3A_180 : i32 to vector<16xi32>
    %add3A_182 = arith.addi %iota3A, %add3A_181 : vector<16xi32>
    %gather3A_183 = tpu.vector_load_idx %arg4[%add3A_182, %broadcast_in_dim3A_130] : memref<128x256xf32, #tpu.memory_space<vmem>>[vector<16xi32>, vector<16xi32>], vector<16xf32>,
    %gather3A_184 = tpu.vector_load_idx %arg4[%add3A_182, %broadcast_in_dim3A_132] : memref<128x256xf32, #tpu.memory_space<vmem>>[vector<16xi32>, vector<16xi32>], vector<16xf32>,
    %gt3A_185 = arith.constant 0.000000e+00 : f32
    %gt3A_186 = vector.broadcast %gt3A_185 : f32 to vector<16xf32>
    %gt3A_187 = arith.cmpf ogt, %gather3A_183, %gt3A_186 : vector<16xf32>
    %jit3A_188 = arith.constant 1.000000e+00 : f32
    %broadcast_in_dim3A_189 = vector.broadcast %jit3A_188 : f32 to vector<16xf32>
    %select_n3A_190 = arith.select %gt3A_187, %broadcast_in_dim3A_189, %gather3A_183 : vector<16xi1>, vector<16xf32>
    %gt3A_191 = arith.constant 0.000000e+00 : f32
    %gt3A_192 = vector.broadcast %gt3A_191 : f32 to vector<16xf32>
    %gt3A_193 = arith.cmpf ogt, %gather3A_184, %gt3A_192 : vector<16xf32>
    %jit3A_194 = arith.constant 1.000000e+00 : f32
    %broadcast_in_dim3A_195 = vector.broadcast %jit3A_194 : f32 to vector<16xf32>
    %select_n3A_196 = arith.select %gt3A_193, %broadcast_in_dim3A_195, %gather3A_184 : vector<16xi1>, vector<16xf32>
    %add3A_197 = arith.addf %select_n3A_190, %select_n3A_196 : vector<16xf32>
    %gt3A_198 = arith.constant 0.000000e+00 : f32
    %gt3A_199 = vector.broadcast %gt3A_198 : f32 to vector<16xf32>
    %gt3A_200 = arith.cmpf ogt, %add3A_197, %gt3A_199 : vector<16xf32>
    %jit3A_201 = arith.constant 1.000000e+02 : f32
    %jit3A_202 = arith.constant -1.000000e+02 : f32
    %broadcast_in_dim3A_203 = vector.broadcast %jit3A_201 : f32 to vector<16xf32>
    %broadcast_in_dim3A_204 = vector.broadcast %jit3A_202 : f32 to vector<16xf32>
    %select_n3A_205 = arith.select %gt3A_200, %broadcast_in_dim3A_203, %broadcast_in_dim3A_204 : vector<16xi1>, vector<16xf32>
    %neg3A_206 = arith.constant 0.000000e+00 : f32
    %neg3A_207 = vector.broadcast %neg3A_206 : f32 to vector<16xf32>
    %neg3A_208 = arith.subf %neg3A_207, %select_n3A_205 : vector<16xf32>
    tpu.vector_store_idx %arg5[%add3A_182, %broadcast_in_dim3A_130], %neg3A_208 : memref<128x2xf32, #tpu.memory_space<vmem>>[vector<16xi32>, vector<16xi32>], vector<16xf32>,
    tpu.vector_store_idx %arg5[%add3A_182, %broadcast_in_dim3A_132], %select_n3A_205 : memref<128x2xf32, #tpu.memory_space<vmem>>[vector<16xi32>, vector<16xi32>], vector<16xf32>,
    %add3A_209 = arith.constant 16 : i32
    %add3A_210 = arith.addi %mul3A_2, %add3A_209 : i32
    %dma_start3A_211 = arith.constant 16 : i32
    %dma_start3A_212 = arith.constant 0 : i32
    %dma_start3A_213 = tpu.memref_slice %arg5[%dma_start3A_211, %dma_start3A_212] : memref<128x2xf32, #tpu.memory_space<vmem>> -> memref<16x2xf32, #tpu.memory_space<vmem>>
    %dma_start3A_214 = arith.constant 0 : i32
    %dma_start3A_215 = tpu.memref_slice %arg3[%add3A_210, %dma_start3A_214] : memref<4096x2xf32, #tpu.memory_space<hbm>> -> memref<16x2xf32, #tpu.memory_space<hbm>>
    %dma_start3A_216 = arith.constant 0 : i32
    %dma_start3A_217 = tpu.memref_slice %arg3[%add3A_210, %dma_start3A_216] : memref<4096x2xf32, #tpu.memory_space<hbm>> -> memref<16x2xf32, #tpu.memory_space<hbm>>
    %dma_start3A_218 = arith.constant 16 : i32
    %dma_start3A_219 = arith.constant 0 : i32
    %dma_start3A_220 = tpu.memref_slice %arg5[%dma_start3A_218, %dma_start3A_219] : memref<128x2xf32, #tpu.memory_space<vmem>> -> memref<16x2xf32, #tpu.memory_space<vmem>>
    tpu.enqueue_dma source(%dma_start3A_220 : memref<16x2xf32, #tpu.memory_space<vmem>>) target(%dma_start3A_217 : memref<16x2xf32, #tpu.memory_space<hbm>>) target_semaphore(%arg8 : memref<!tpu.dma_semaphore, #tpu.memory_space<semaphore_mem>>)
    %dma_wait3A_221 = arith.constant 32 : i32
    %dma_wait3A_222 = arith.constant 0 : i32
    %dma_wait3A_223 = tpu.memref_slice %arg4[%dma_wait3A_221, %dma_wait3A_222] : memref<128x256xf32, #tpu.memory_space<vmem>> -> memref<16x256xf32, #tpu.memory_space<vmem>>
    %dma_wait3A_224 = arith.constant 0 : i32
    %dma_wait3A_225 = arith.constant 0 : i32
    %dma_wait3A_226 = tpu.memref_slice %arg2[%dma_wait3A_224, %dma_wait3A_225] : memref<131072x256xf32, #tpu.memory_space<hbm>> -> memref<131072x256xf32, #tpu.memory_space<hbm>>
    tpu.wait_indirect_dma semaphore(%arg6 : memref<!tpu.dma_semaphore, #tpu.memory_space<semaphore_mem>>) src(%dma_wait3A_226 : memref<131072x256xf32, #tpu.memory_space<hbm>>) dst(%dma_wait3A_223 : memref<16x256xf32, #tpu.memory_space<vmem>>)
    %add3A_227 = arith.constant 32 : i32
    %add3A_228 = vector.broadcast %add3A_227 : i32 to vector<16xi32>
    %add3A_229 = arith.addi %iota3A, %add3A_228 : vector<16xi32>
    %gather3A_230 = tpu.vector_load_idx %arg4[%add3A_229, %broadcast_in_dim3A_130] : memref<128x256xf32, #tpu.memory_space<vmem>>[vector<16xi32>, vector<16xi32>], vector<16xf32>,
    %gather3A_231 = tpu.vector_load_idx %arg4[%add3A_229, %broadcast_in_dim3A_132] : memref<128x256xf32, #tpu.memory_space<vmem>>[vector<16xi32>, vector<16xi32>], vector<16xf32>,
    %gt3A_232 = arith.constant 0.000000e+00 : f32
    %gt3A_233 = vector.broadcast %gt3A_232 : f32 to vector<16xf32>
    %gt3A_234 = arith.cmpf ogt, %gather3A_230, %gt3A_233 : vector<16xf32>
    %jit3A_235 = arith.constant 1.000000e+00 : f32
    %broadcast_in_dim3A_236 = vector.broadcast %jit3A_235 : f32 to vector<16xf32>
    %select_n3A_237 = arith.select %gt3A_234, %broadcast_in_dim3A_236, %gather3A_230 : vector<16xi1>, vector<16xf32>
    %gt3A_238 = arith.constant 0.000000e+00 : f32
    %gt3A_239 = vector.broadcast %gt3A_238 : f32 to vector<16xf32>
    %gt3A_240 = arith.cmpf ogt, %gather3A_231, %gt3A_239 : vector<16xf32>
    %jit3A_241 = arith.constant 1.000000e+00 : f32
    %broadcast_in_dim3A_242 = vector.broadcast %jit3A_241 : f32 to vector<16xf32>
    %select_n3A_243 = arith.select %gt3A_240, %broadcast_in_dim3A_242, %gather3A_231 : vector<16xi1>, vector<16xf32>
    %add3A_244 = arith.addf %select_n3A_237, %select_n3A_243 : vector<16xf32>
    %gt3A_245 = arith.constant 0.000000e+00 : f32
    %gt3A_246 = vector.broadcast %gt3A_245 : f32 to vector<16xf32>
    %gt3A_247 = arith.cmpf ogt, %add3A_244, %gt3A_246 : vector<16xf32>
    %jit3A_248 = arith.constant 1.000000e+02 : f32
    %jit3A_249 = arith.constant -1.000000e+02 : f32
    %broadcast_in_dim3A_250 = vector.broadcast %jit3A_248 : f32 to vector<16xf32>
    %broadcast_in_dim3A_251 = vector.broadcast %jit3A_249 : f32 to vector<16xf32>
    %select_n3A_252 = arith.select %gt3A_247, %broadcast_in_dim3A_250, %broadcast_in_dim3A_251 : vector<16xi1>, vector<16xf32>
    %neg3A_253 = arith.constant 0.000000e+00 : f32
    %neg3A_254 = vector.broadcast %neg3A_253 : f32 to vector<16xf32>
    %neg3A_255 = arith.subf %neg3A_254, %select_n3A_252 : vector<16xf32>
    tpu.vector_store_idx %arg5[%add3A_229, %broadcast_in_dim3A_130], %neg3A_255 : memref<128x2xf32, #tpu.memory_space<vmem>>[vector<16xi32>, vector<16xi32>], vector<16xf32>,
    tpu.vector_store_idx %arg5[%add3A_229, %broadcast_in_dim3A_132], %select_n3A_252 : memref<128x2xf32, #tpu.memory_space<vmem>>[vector<16xi32>, vector<16xi32>], vector<16xf32>,
    %add3A_256 = arith.constant 32 : i32
    %add3A_257 = arith.addi %mul3A_2, %add3A_256 : i32
    %dma_start3A_258 = arith.constant 32 : i32
    %dma_start3A_259 = arith.constant 0 : i32
    %dma_start3A_260 = tpu.memref_slice %arg5[%dma_start3A_258, %dma_start3A_259] : memref<128x2xf32, #tpu.memory_space<vmem>> -> memref<16x2xf32, #tpu.memory_space<vmem>>
    %dma_start3A_261 = arith.constant 0 : i32
    %dma_start3A_262 = tpu.memref_slice %arg3[%add3A_257, %dma_start3A_261] : memref<4096x2xf32, #tpu.memory_space<hbm>> -> memref<16x2xf32, #tpu.memory_space<hbm>>
    %dma_start3A_263 = arith.constant 0 : i32
    %dma_start3A_264 = tpu.memref_slice %arg3[%add3A_257, %dma_start3A_263] : memref<4096x2xf32, #tpu.memory_space<hbm>> -> memref<16x2xf32, #tpu.memory_space<hbm>>
    %dma_start3A_265 = arith.constant 32 : i32
    %dma_start3A_266 = arith.constant 0 : i32
    %dma_start3A_267 = tpu.memref_slice %arg5[%dma_start3A_265, %dma_start3A_266] : memref<128x2xf32, #tpu.memory_space<vmem>> -> memref<16x2xf32, #tpu.memory_space<vmem>>
    tpu.enqueue_dma source(%dma_start3A_267 : memref<16x2xf32, #tpu.memory_space<vmem>>) target(%dma_start3A_264 : memref<16x2xf32, #tpu.memory_space<hbm>>) target_semaphore(%arg8 : memref<!tpu.dma_semaphore, #tpu.memory_space<semaphore_mem>>)
    %dma_wait3A_268 = arith.constant 48 : i32
    %dma_wait3A_269 = arith.constant 0 : i32
    %dma_wait3A_270 = tpu.memref_slice %arg4[%dma_wait3A_268, %dma_wait3A_269] : memref<128x256xf32, #tpu.memory_space<vmem>> -> memref<16x256xf32, #tpu.memory_space<vmem>>
    %dma_wait3A_271 = arith.constant 0 : i32
    %dma_wait3A_272 = arith.constant 0 : i32
    %dma_wait3A_273 = tpu.memref_slice %arg2[%dma_wait3A_271, %dma_wait3A_272] : memref<131072x256xf32, #tpu.memory_space<hbm>> -> memref<131072x256xf32, #tpu.memory_space<hbm>>
    tpu.wait_indirect_dma semaphore(%arg7 : memref<!tpu.dma_semaphore, #tpu.memory_space<semaphore_mem>>) src(%dma_wait3A_273 : memref<131072x256xf32, #tpu.memory_space<hbm>>) dst(%dma_wait3A_270 : memref<16x256xf32, #tpu.memory_space<vmem>>)
    %add3A_274 = arith.constant 48 : i32
    %add3A_275 = vector.broadcast %add3A_274 : i32 to vector<16xi32>
    %add3A_276 = arith.addi %iota3A, %add3A_275 : vector<16xi32>
    %gather3A_277 = tpu.vector_load_idx %arg4[%add3A_276, %broadcast_in_dim3A_130] : memref<128x256xf32, #tpu.memory_space<vmem>>[vector<16xi32>, vector<16xi32>], vector<16xf32>,
    %gather3A_278 = tpu.vector_load_idx %arg4[%add3A_276, %broadcast_in_dim3A_132] : memref<128x256xf32, #tpu.memory_space<vmem>>[vector<16xi32>, vector<16xi32>], vector<16xf32>,
    %gt3A_279 = arith.constant 0.000000e+00 : f32
    %gt3A_280 = vector.broadcast %gt3A_279 : f32 to vector<16xf32>
    %gt3A_281 = arith.cmpf ogt, %gather3A_277, %gt3A_280 : vector<16xf32>
    %jit3A_282 = arith.constant 1.000000e+00 : f32
    %broadcast_in_dim3A_283 = vector.broadcast %jit3A_282 : f32 to vector<16xf32>
    %select_n3A_284 = arith.select %gt3A_281, %broadcast_in_dim3A_283, %gather3A_277 : vector<16xi1>, vector<16xf32>
    %gt3A_285 = arith.constant 0.000000e+00 : f32
    %gt3A_286 = vector.broadcast %gt3A_285 : f32 to vector<16xf32>
    %gt3A_287 = arith.cmpf ogt, %gather3A_278, %gt3A_286 : vector<16xf32>
    %jit3A_288 = arith.constant 1.000000e+00 : f32
    %broadcast_in_dim3A_289 = vector.broadcast %jit3A_288 : f32 to vector<16xf32>
    %select_n3A_290 = arith.select %gt3A_287, %broadcast_in_dim3A_289, %gather3A_278 : vector<16xi1>, vector<16xf32>
    %add3A_291 = arith.addf %select_n3A_284, %select_n3A_290 : vector<16xf32>
    %gt3A_292 = arith.constant 0.000000e+00 : f32
    %gt3A_293 = vector.broadcast %gt3A_292 : f32 to vector<16xf32>
    %gt3A_294 = arith.cmpf ogt, %add3A_291, %gt3A_293 : vector<16xf32>
    %jit3A_295 = arith.constant 1.000000e+02 : f32
    %jit3A_296 = arith.constant -1.000000e+02 : f32
    %broadcast_in_dim3A_297 = vector.broadcast %jit3A_295 : f32 to vector<16xf32>
    %broadcast_in_dim3A_298 = vector.broadcast %jit3A_296 : f32 to vector<16xf32>
    %select_n3A_299 = arith.select %gt3A_294, %broadcast_in_dim3A_297, %broadcast_in_dim3A_298 : vector<16xi1>, vector<16xf32>
    %neg3A_300 = arith.constant 0.000000e+00 : f32
    %neg3A_301 = vector.broadcast %neg3A_300 : f32 to vector<16xf32>
    %neg3A_302 = arith.subf %neg3A_301, %select_n3A_299 : vector<16xf32>
    tpu.vector_store_idx %arg5[%add3A_276, %broadcast_in_dim3A_130], %neg3A_302 : memref<128x2xf32, #tpu.memory_space<vmem>>[vector<16xi32>, vector<16xi32>], vector<16xf32>,
    tpu.vector_store_idx %arg5[%add3A_276, %broadcast_in_dim3A_132], %select_n3A_299 : memref<128x2xf32, #tpu.memory_space<vmem>>[vector<16xi32>, vector<16xi32>], vector<16xf32>,
    %add3A_303 = arith.constant 48 : i32
    %add3A_304 = arith.addi %mul3A_2, %add3A_303 : i32
    %dma_start3A_305 = arith.constant 48 : i32
    %dma_start3A_306 = arith.constant 0 : i32
    %dma_start3A_307 = tpu.memref_slice %arg5[%dma_start3A_305, %dma_start3A_306] : memref<128x2xf32, #tpu.memory_space<vmem>> -> memref<16x2xf32, #tpu.memory_space<vmem>>
    %dma_start3A_308 = arith.constant 0 : i32
    %dma_start3A_309 = tpu.memref_slice %arg3[%add3A_304, %dma_start3A_308] : memref<4096x2xf32, #tpu.memory_space<hbm>> -> memref<16x2xf32, #tpu.memory_space<hbm>>
    %dma_start3A_310 = arith.constant 0 : i32
    %dma_start3A_311 = tpu.memref_slice %arg3[%add3A_304, %dma_start3A_310] : memref<4096x2xf32, #tpu.memory_space<hbm>> -> memref<16x2xf32, #tpu.memory_space<hbm>>
    %dma_start3A_312 = arith.constant 48 : i32
    %dma_start3A_313 = arith.constant 0 : i32
    %dma_start3A_314 = tpu.memref_slice %arg5[%dma_start3A_312, %dma_start3A_313] : memref<128x2xf32, #tpu.memory_space<vmem>> -> memref<16x2xf32, #tpu.memory_space<vmem>>
    tpu.enqueue_dma source(%dma_start3A_314 : memref<16x2xf32, #tpu.memory_space<vmem>>) target(%dma_start3A_311 : memref<16x2xf32, #tpu.memory_space<hbm>>) target_semaphore(%arg8 : memref<!tpu.dma_semaphore, #tpu.memory_space<semaphore_mem>>)
    %dma_wait3A_315 = arith.constant 64 : i32
    %dma_wait3A_316 = arith.constant 0 : i32
    %dma_wait3A_317 = tpu.memref_slice %arg4[%dma_wait3A_315, %dma_wait3A_316] : memref<128x256xf32, #tpu.memory_space<vmem>> -> memref<16x256xf32, #tpu.memory_space<vmem>>
    %dma_wait3A_318 = arith.constant 0 : i32
    %dma_wait3A_319 = arith.constant 0 : i32
    %dma_wait3A_320 = tpu.memref_slice %arg2[%dma_wait3A_318, %dma_wait3A_319] : memref<131072x256xf32, #tpu.memory_space<hbm>> -> memref<131072x256xf32, #tpu.memory_space<hbm>>
    tpu.wait_indirect_dma semaphore(%arg6 : memref<!tpu.dma_semaphore, #tpu.memory_space<semaphore_mem>>) src(%dma_wait3A_320 : memref<131072x256xf32, #tpu.memory_space<hbm>>) dst(%dma_wait3A_317 : memref<16x256xf32, #tpu.memory_space<vmem>>)
    %add3A_321 = arith.constant 64 : i32
    %add3A_322 = vector.broadcast %add3A_321 : i32 to vector<16xi32>
    %add3A_323 = arith.addi %iota3A, %add3A_322 : vector<16xi32>
    %gather3A_324 = tpu.vector_load_idx %arg4[%add3A_323, %broadcast_in_dim3A_130] : memref<128x256xf32, #tpu.memory_space<vmem>>[vector<16xi32>, vector<16xi32>], vector<16xf32>,
    %gather3A_325 = tpu.vector_load_idx %arg4[%add3A_323, %broadcast_in_dim3A_132] : memref<128x256xf32, #tpu.memory_space<vmem>>[vector<16xi32>, vector<16xi32>], vector<16xf32>,
    %gt3A_326 = arith.constant 0.000000e+00 : f32
    %gt3A_327 = vector.broadcast %gt3A_326 : f32 to vector<16xf32>
    %gt3A_328 = arith.cmpf ogt, %gather3A_324, %gt3A_327 : vector<16xf32>
    %jit3A_329 = arith.constant 1.000000e+00 : f32
    %broadcast_in_dim3A_330 = vector.broadcast %jit3A_329 : f32 to vector<16xf32>
    %select_n3A_331 = arith.select %gt3A_328, %broadcast_in_dim3A_330, %gather3A_324 : vector<16xi1>, vector<16xf32>
    %gt3A_332 = arith.constant 0.000000e+00 : f32
    %gt3A_333 = vector.broadcast %gt3A_332 : f32 to vector<16xf32>
    %gt3A_334 = arith.cmpf ogt, %gather3A_325, %gt3A_333 : vector<16xf32>
    %jit3A_335 = arith.constant 1.000000e+00 : f32
    %broadcast_in_dim3A_336 = vector.broadcast %jit3A_335 : f32 to vector<16xf32>
    %select_n3A_337 = arith.select %gt3A_334, %broadcast_in_dim3A_336, %gather3A_325 : vector<16xi1>, vector<16xf32>
    %add3A_338 = arith.addf %select_n3A_331, %select_n3A_337 : vector<16xf32>
    %gt3A_339 = arith.constant 0.000000e+00 : f32
    %gt3A_340 = vector.broadcast %gt3A_339 : f32 to vector<16xf32>
    %gt3A_341 = arith.cmpf ogt, %add3A_338, %gt3A_340 : vector<16xf32>
    %jit3A_342 = arith.constant 1.000000e+02 : f32
    %jit3A_343 = arith.constant -1.000000e+02 : f32
    %broadcast_in_dim3A_344 = vector.broadcast %jit3A_342 : f32 to vector<16xf32>
    %broadcast_in_dim3A_345 = vector.broadcast %jit3A_343 : f32 to vector<16xf32>
    %select_n3A_346 = arith.select %gt3A_341, %broadcast_in_dim3A_344, %broadcast_in_dim3A_345 : vector<16xi1>, vector<16xf32>
    %neg3A_347 = arith.constant 0.000000e+00 : f32
    %neg3A_348 = vector.broadcast %neg3A_347 : f32 to vector<16xf32>
    %neg3A_349 = arith.subf %neg3A_348, %select_n3A_346 : vector<16xf32>
    tpu.vector_store_idx %arg5[%add3A_323, %broadcast_in_dim3A_130], %neg3A_349 : memref<128x2xf32, #tpu.memory_space<vmem>>[vector<16xi32>, vector<16xi32>], vector<16xf32>,
    tpu.vector_store_idx %arg5[%add3A_323, %broadcast_in_dim3A_132], %select_n3A_346 : memref<128x2xf32, #tpu.memory_space<vmem>>[vector<16xi32>, vector<16xi32>], vector<16xf32>,
    %add3A_350 = arith.constant 64 : i32
    %add3A_351 = arith.addi %mul3A_2, %add3A_350 : i32
    %dma_start3A_352 = arith.constant 64 : i32
    %dma_start3A_353 = arith.constant 0 : i32
    %dma_start3A_354 = tpu.memref_slice %arg5[%dma_start3A_352, %dma_start3A_353] : memref<128x2xf32, #tpu.memory_space<vmem>> -> memref<16x2xf32, #tpu.memory_space<vmem>>
    %dma_start3A_355 = arith.constant 0 : i32
    %dma_start3A_356 = tpu.memref_slice %arg3[%add3A_351, %dma_start3A_355] : memref<4096x2xf32, #tpu.memory_space<hbm>> -> memref<16x2xf32, #tpu.memory_space<hbm>>
    %dma_start3A_357 = arith.constant 0 : i32
    %dma_start3A_358 = tpu.memref_slice %arg3[%add3A_351, %dma_start3A_357] : memref<4096x2xf32, #tpu.memory_space<hbm>> -> memref<16x2xf32, #tpu.memory_space<hbm>>
    %dma_start3A_359 = arith.constant 64 : i32
    %dma_start3A_360 = arith.constant 0 : i32
    %dma_start3A_361 = tpu.memref_slice %arg5[%dma_start3A_359, %dma_start3A_360] : memref<128x2xf32, #tpu.memory_space<vmem>> -> memref<16x2xf32, #tpu.memory_space<vmem>>
    tpu.enqueue_dma source(%dma_start3A_361 : memref<16x2xf32, #tpu.memory_space<vmem>>) target(%dma_start3A_358 : memref<16x2xf32, #tpu.memory_space<hbm>>) target_semaphore(%arg8 : memref<!tpu.dma_semaphore, #tpu.memory_space<semaphore_mem>>)
    %dma_wait3A_362 = arith.constant 80 : i32
    %dma_wait3A_363 = arith.constant 0 : i32
    %dma_wait3A_364 = tpu.memref_slice %arg4[%dma_wait3A_362, %dma_wait3A_363] : memref<128x256xf32, #tpu.memory_space<vmem>> -> memref<16x256xf32, #tpu.memory_space<vmem>>
    %dma_wait3A_365 = arith.constant 0 : i32
    %dma_wait3A_366 = arith.constant 0 : i32
    %dma_wait3A_367 = tpu.memref_slice %arg2[%dma_wait3A_365, %dma_wait3A_366] : memref<131072x256xf32, #tpu.memory_space<hbm>> -> memref<131072x256xf32, #tpu.memory_space<hbm>>
    tpu.wait_indirect_dma semaphore(%arg7 : memref<!tpu.dma_semaphore, #tpu.memory_space<semaphore_mem>>) src(%dma_wait3A_367 : memref<131072x256xf32, #tpu.memory_space<hbm>>) dst(%dma_wait3A_364 : memref<16x256xf32, #tpu.memory_space<vmem>>)
    %add3A_368 = arith.constant 80 : i32
    %add3A_369 = vector.broadcast %add3A_368 : i32 to vector<16xi32>
    %add3A_370 = arith.addi %iota3A, %add3A_369 : vector<16xi32>
    %gather3A_371 = tpu.vector_load_idx %arg4[%add3A_370, %broadcast_in_dim3A_130] : memref<128x256xf32, #tpu.memory_space<vmem>>[vector<16xi32>, vector<16xi32>], vector<16xf32>,
    %gather3A_372 = tpu.vector_load_idx %arg4[%add3A_370, %broadcast_in_dim3A_132] : memref<128x256xf32, #tpu.memory_space<vmem>>[vector<16xi32>, vector<16xi32>], vector<16xf32>,
    %gt3A_373 = arith.constant 0.000000e+00 : f32
    %gt3A_374 = vector.broadcast %gt3A_373 : f32 to vector<16xf32>
    %gt3A_375 = arith.cmpf ogt, %gather3A_371, %gt3A_374 : vector<16xf32>
    %jit3A_376 = arith.constant 1.000000e+00 : f32
    %broadcast_in_dim3A_377 = vector.broadcast %jit3A_376 : f32 to vector<16xf32>
    %select_n3A_378 = arith.select %gt3A_375, %broadcast_in_dim3A_377, %gather3A_371 : vector<16xi1>, vector<16xf32>
    %gt3A_379 = arith.constant 0.000000e+00 : f32
    %gt3A_380 = vector.broadcast %gt3A_379 : f32 to vector<16xf32>
    %gt3A_381 = arith.cmpf ogt, %gather3A_372, %gt3A_380 : vector<16xf32>
    %jit3A_382 = arith.constant 1.000000e+00 : f32
    %broadcast_in_dim3A_383 = vector.broadcast %jit3A_382 : f32 to vector<16xf32>
    %select_n3A_384 = arith.select %gt3A_381, %broadcast_in_dim3A_383, %gather3A_372 : vector<16xi1>, vector<16xf32>
    %add3A_385 = arith.addf %select_n3A_378, %select_n3A_384 : vector<16xf32>
    %gt3A_386 = arith.constant 0.000000e+00 : f32
    %gt3A_387 = vector.broadcast %gt3A_386 : f32 to vector<16xf32>
    %gt3A_388 = arith.cmpf ogt, %add3A_385, %gt3A_387 : vector<16xf32>
    %jit3A_389 = arith.constant 1.000000e+02 : f32
    %jit3A_390 = arith.constant -1.000000e+02 : f32
    %broadcast_in_dim3A_391 = vector.broadcast %jit3A_389 : f32 to vector<16xf32>
    %broadcast_in_dim3A_392 = vector.broadcast %jit3A_390 : f32 to vector<16xf32>
    %select_n3A_393 = arith.select %gt3A_388, %broadcast_in_dim3A_391, %broadcast_in_dim3A_392 : vector<16xi1>, vector<16xf32>
    %neg3A_394 = arith.constant 0.000000e+00 : f32
    %neg3A_395 = vector.broadcast %neg3A_394 : f32 to vector<16xf32>
    %neg3A_396 = arith.subf %neg3A_395, %select_n3A_393 : vector<16xf32>
    tpu.vector_store_idx %arg5[%add3A_370, %broadcast_in_dim3A_130], %neg3A_396 : memref<128x2xf32, #tpu.memory_space<vmem>>[vector<16xi32>, vector<16xi32>], vector<16xf32>,
    tpu.vector_store_idx %arg5[%add3A_370, %broadcast_in_dim3A_132], %select_n3A_393 : memref<128x2xf32, #tpu.memory_space<vmem>>[vector<16xi32>, vector<16xi32>], vector<16xf32>,
    %add3A_397 = arith.constant 80 : i32
    %add3A_398 = arith.addi %mul3A_2, %add3A_397 : i32
    %dma_start3A_399 = arith.constant 80 : i32
    %dma_start3A_400 = arith.constant 0 : i32
    %dma_start3A_401 = tpu.memref_slice %arg5[%dma_start3A_399, %dma_start3A_400] : memref<128x2xf32, #tpu.memory_space<vmem>> -> memref<16x2xf32, #tpu.memory_space<vmem>>
    %dma_start3A_402 = arith.constant 0 : i32
    %dma_start3A_403 = tpu.memref_slice %arg3[%add3A_398, %dma_start3A_402] : memref<4096x2xf32, #tpu.memory_space<hbm>> -> memref<16x2xf32, #tpu.memory_space<hbm>>
    %dma_start3A_404 = arith.constant 0 : i32
    %dma_start3A_405 = tpu.memref_slice %arg3[%add3A_398, %dma_start3A_404] : memref<4096x2xf32, #tpu.memory_space<hbm>> -> memref<16x2xf32, #tpu.memory_space<hbm>>
    %dma_start3A_406 = arith.constant 80 : i32
    %dma_start3A_407 = arith.constant 0 : i32
    %dma_start3A_408 = tpu.memref_slice %arg5[%dma_start3A_406, %dma_start3A_407] : memref<128x2xf32, #tpu.memory_space<vmem>> -> memref<16x2xf32, #tpu.memory_space<vmem>>
    tpu.enqueue_dma source(%dma_start3A_408 : memref<16x2xf32, #tpu.memory_space<vmem>>) target(%dma_start3A_405 : memref<16x2xf32, #tpu.memory_space<hbm>>) target_semaphore(%arg8 : memref<!tpu.dma_semaphore, #tpu.memory_space<semaphore_mem>>)
    %dma_wait3A_409 = arith.constant 96 : i32
    %dma_wait3A_410 = arith.constant 0 : i32
    %dma_wait3A_411 = tpu.memref_slice %arg4[%dma_wait3A_409, %dma_wait3A_410] : memref<128x256xf32, #tpu.memory_space<vmem>> -> memref<16x256xf32, #tpu.memory_space<vmem>>
    %dma_wait3A_412 = arith.constant 0 : i32
    %dma_wait3A_413 = arith.constant 0 : i32
    %dma_wait3A_414 = tpu.memref_slice %arg2[%dma_wait3A_412, %dma_wait3A_413] : memref<131072x256xf32, #tpu.memory_space<hbm>> -> memref<131072x256xf32, #tpu.memory_space<hbm>>
    tpu.wait_indirect_dma semaphore(%arg6 : memref<!tpu.dma_semaphore, #tpu.memory_space<semaphore_mem>>) src(%dma_wait3A_414 : memref<131072x256xf32, #tpu.memory_space<hbm>>) dst(%dma_wait3A_411 : memref<16x256xf32, #tpu.memory_space<vmem>>)
    %add3A_415 = arith.constant 96 : i32
    %add3A_416 = vector.broadcast %add3A_415 : i32 to vector<16xi32>
    %add3A_417 = arith.addi %iota3A, %add3A_416 : vector<16xi32>
    %gather3A_418 = tpu.vector_load_idx %arg4[%add3A_417, %broadcast_in_dim3A_130] : memref<128x256xf32, #tpu.memory_space<vmem>>[vector<16xi32>, vector<16xi32>], vector<16xf32>,
    %gather3A_419 = tpu.vector_load_idx %arg4[%add3A_417, %broadcast_in_dim3A_132] : memref<128x256xf32, #tpu.memory_space<vmem>>[vector<16xi32>, vector<16xi32>], vector<16xf32>,
    %gt3A_420 = arith.constant 0.000000e+00 : f32
    %gt3A_421 = vector.broadcast %gt3A_420 : f32 to vector<16xf32>
    %gt3A_422 = arith.cmpf ogt, %gather3A_418, %gt3A_421 : vector<16xf32>
    %jit3A_423 = arith.constant 1.000000e+00 : f32
    %broadcast_in_dim3A_424 = vector.broadcast %jit3A_423 : f32 to vector<16xf32>
    %select_n3A_425 = arith.select %gt3A_422, %broadcast_in_dim3A_424, %gather3A_418 : vector<16xi1>, vector<16xf32>
    %gt3A_426 = arith.constant 0.000000e+00 : f32
    %gt3A_427 = vector.broadcast %gt3A_426 : f32 to vector<16xf32>
    %gt3A_428 = arith.cmpf ogt, %gather3A_419, %gt3A_427 : vector<16xf32>
    %jit3A_429 = arith.constant 1.000000e+00 : f32
    %broadcast_in_dim3A_430 = vector.broadcast %jit3A_429 : f32 to vector<16xf32>
    %select_n3A_431 = arith.select %gt3A_428, %broadcast_in_dim3A_430, %gather3A_419 : vector<16xi1>, vector<16xf32>
    %add3A_432 = arith.addf %select_n3A_425, %select_n3A_431 : vector<16xf32>
    %gt3A_433 = arith.constant 0.000000e+00 : f32
    %gt3A_434 = vector.broadcast %gt3A_433 : f32 to vector<16xf32>
    %gt3A_435 = arith.cmpf ogt, %add3A_432, %gt3A_434 : vector<16xf32>
    %jit3A_436 = arith.constant 1.000000e+02 : f32
    %jit3A_437 = arith.constant -1.000000e+02 : f32
    %broadcast_in_dim3A_438 = vector.broadcast %jit3A_436 : f32 to vector<16xf32>
    %broadcast_in_dim3A_439 = vector.broadcast %jit3A_437 : f32 to vector<16xf32>
    %select_n3A_440 = arith.select %gt3A_435, %broadcast_in_dim3A_438, %broadcast_in_dim3A_439 : vector<16xi1>, vector<16xf32>
    %neg3A_441 = arith.constant 0.000000e+00 : f32
    %neg3A_442 = vector.broadcast %neg3A_441 : f32 to vector<16xf32>
    %neg3A_443 = arith.subf %neg3A_442, %select_n3A_440 : vector<16xf32>
    tpu.vector_store_idx %arg5[%add3A_417, %broadcast_in_dim3A_130], %neg3A_443 : memref<128x2xf32, #tpu.memory_space<vmem>>[vector<16xi32>, vector<16xi32>], vector<16xf32>,
    tpu.vector_store_idx %arg5[%add3A_417, %broadcast_in_dim3A_132], %select_n3A_440 : memref<128x2xf32, #tpu.memory_space<vmem>>[vector<16xi32>, vector<16xi32>], vector<16xf32>,
    %add3A_444 = arith.constant 96 : i32
    %add3A_445 = arith.addi %mul3A_2, %add3A_444 : i32
    %dma_start3A_446 = arith.constant 96 : i32
    %dma_start3A_447 = arith.constant 0 : i32
    %dma_start3A_448 = tpu.memref_slice %arg5[%dma_start3A_446, %dma_start3A_447] : memref<128x2xf32, #tpu.memory_space<vmem>> -> memref<16x2xf32, #tpu.memory_space<vmem>>
    %dma_start3A_449 = arith.constant 0 : i32
    %dma_start3A_450 = tpu.memref_slice %arg3[%add3A_445, %dma_start3A_449] : memref<4096x2xf32, #tpu.memory_space<hbm>> -> memref<16x2xf32, #tpu.memory_space<hbm>>
    %dma_start3A_451 = arith.constant 0 : i32
    %dma_start3A_452 = tpu.memref_slice %arg3[%add3A_445, %dma_start3A_451] : memref<4096x2xf32, #tpu.memory_space<hbm>> -> memref<16x2xf32, #tpu.memory_space<hbm>>
    %dma_start3A_453 = arith.constant 96 : i32
    %dma_start3A_454 = arith.constant 0 : i32
    %dma_start3A_455 = tpu.memref_slice %arg5[%dma_start3A_453, %dma_start3A_454] : memref<128x2xf32, #tpu.memory_space<vmem>> -> memref<16x2xf32, #tpu.memory_space<vmem>>
    tpu.enqueue_dma source(%dma_start3A_455 : memref<16x2xf32, #tpu.memory_space<vmem>>) target(%dma_start3A_452 : memref<16x2xf32, #tpu.memory_space<hbm>>) target_semaphore(%arg8 : memref<!tpu.dma_semaphore, #tpu.memory_space<semaphore_mem>>)
    %dma_wait3A_456 = arith.constant 112 : i32
    %dma_wait3A_457 = arith.constant 0 : i32
    %dma_wait3A_458 = tpu.memref_slice %arg4[%dma_wait3A_456, %dma_wait3A_457] : memref<128x256xf32, #tpu.memory_space<vmem>> -> memref<16x256xf32, #tpu.memory_space<vmem>>
    %dma_wait3A_459 = arith.constant 0 : i32
    %dma_wait3A_460 = arith.constant 0 : i32
    %dma_wait3A_461 = tpu.memref_slice %arg2[%dma_wait3A_459, %dma_wait3A_460] : memref<131072x256xf32, #tpu.memory_space<hbm>> -> memref<131072x256xf32, #tpu.memory_space<hbm>>
    tpu.wait_indirect_dma semaphore(%arg7 : memref<!tpu.dma_semaphore, #tpu.memory_space<semaphore_mem>>) src(%dma_wait3A_461 : memref<131072x256xf32, #tpu.memory_space<hbm>>) dst(%dma_wait3A_458 : memref<16x256xf32, #tpu.memory_space<vmem>>)
    %add3A_462 = arith.constant 112 : i32
    %add3A_463 = vector.broadcast %add3A_462 : i32 to vector<16xi32>
    %add3A_464 = arith.addi %iota3A, %add3A_463 : vector<16xi32>
    %gather3A_465 = tpu.vector_load_idx %arg4[%add3A_464, %broadcast_in_dim3A_130] : memref<128x256xf32, #tpu.memory_space<vmem>>[vector<16xi32>, vector<16xi32>], vector<16xf32>,
    %gather3A_466 = tpu.vector_load_idx %arg4[%add3A_464, %broadcast_in_dim3A_132] : memref<128x256xf32, #tpu.memory_space<vmem>>[vector<16xi32>, vector<16xi32>], vector<16xf32>,
    %gt3A_467 = arith.constant 0.000000e+00 : f32
    %gt3A_468 = vector.broadcast %gt3A_467 : f32 to vector<16xf32>
    %gt3A_469 = arith.cmpf ogt, %gather3A_465, %gt3A_468 : vector<16xf32>
    %jit3A_470 = arith.constant 1.000000e+00 : f32
    %broadcast_in_dim3A_471 = vector.broadcast %jit3A_470 : f32 to vector<16xf32>
    %select_n3A_472 = arith.select %gt3A_469, %broadcast_in_dim3A_471, %gather3A_465 : vector<16xi1>, vector<16xf32>
    %gt3A_473 = arith.constant 0.000000e+00 : f32
    %gt3A_474 = vector.broadcast %gt3A_473 : f32 to vector<16xf32>
    %gt3A_475 = arith.cmpf ogt, %gather3A_466, %gt3A_474 : vector<16xf32>
    %jit3A_476 = arith.constant 1.000000e+00 : f32
    %broadcast_in_dim3A_477 = vector.broadcast %jit3A_476 : f32 to vector<16xf32>
    %select_n3A_478 = arith.select %gt3A_475, %broadcast_in_dim3A_477, %gather3A_466 : vector<16xi1>, vector<16xf32>
    %add3A_479 = arith.addf %select_n3A_472, %select_n3A_478 : vector<16xf32>
    %gt3A_480 = arith.constant 0.000000e+00 : f32
    %gt3A_481 = vector.broadcast %gt3A_480 : f32 to vector<16xf32>
    %gt3A_482 = arith.cmpf ogt, %add3A_479, %gt3A_481 : vector<16xf32>
    %jit3A_483 = arith.constant 1.000000e+02 : f32
    %jit3A_484 = arith.constant -1.000000e+02 : f32
    %broadcast_in_dim3A_485 = vector.broadcast %jit3A_483 : f32 to vector<16xf32>
    %broadcast_in_dim3A_486 = vector.broadcast %jit3A_484 : f32 to vector<16xf32>
    %select_n3A_487 = arith.select %gt3A_482, %broadcast_in_dim3A_485, %broadcast_in_dim3A_486 : vector<16xi1>, vector<16xf32>
    %neg3A_488 = arith.constant 0.000000e+00 : f32
    %neg3A_489 = vector.broadcast %neg3A_488 : f32 to vector<16xf32>
    %neg3A_490 = arith.subf %neg3A_489, %select_n3A_487 : vector<16xf32>
    tpu.vector_store_idx %arg5[%add3A_464, %broadcast_in_dim3A_130], %neg3A_490 : memref<128x2xf32, #tpu.memory_space<vmem>>[vector<16xi32>, vector<16xi32>], vector<16xf32>,
    tpu.vector_store_idx %arg5[%add3A_464, %broadcast_in_dim3A_132], %select_n3A_487 : memref<128x2xf32, #tpu.memory_space<vmem>>[vector<16xi32>, vector<16xi32>], vector<16xf32>,
    %add3A_491 = arith.constant 112 : i32
    %add3A_492 = arith.addi %mul3A_2, %add3A_491 : i32
    %dma_start3A_493 = arith.constant 112 : i32
    %dma_start3A_494 = arith.constant 0 : i32
    %dma_start3A_495 = tpu.memref_slice %arg5[%dma_start3A_493, %dma_start3A_494] : memref<128x2xf32, #tpu.memory_space<vmem>> -> memref<16x2xf32, #tpu.memory_space<vmem>>
    %dma_start3A_496 = arith.constant 0 : i32
    %dma_start3A_497 = tpu.memref_slice %arg3[%add3A_492, %dma_start3A_496] : memref<4096x2xf32, #tpu.memory_space<hbm>> -> memref<16x2xf32, #tpu.memory_space<hbm>>
    %dma_start3A_498 = arith.constant 0 : i32
    %dma_start3A_499 = tpu.memref_slice %arg3[%add3A_492, %dma_start3A_498] : memref<4096x2xf32, #tpu.memory_space<hbm>> -> memref<16x2xf32, #tpu.memory_space<hbm>>
    %dma_start3A_500 = arith.constant 112 : i32
    %dma_start3A_501 = arith.constant 0 : i32
    %dma_start3A_502 = tpu.memref_slice %arg5[%dma_start3A_500, %dma_start3A_501] : memref<128x2xf32, #tpu.memory_space<vmem>> -> memref<16x2xf32, #tpu.memory_space<vmem>>
    tpu.enqueue_dma source(%dma_start3A_502 : memref<16x2xf32, #tpu.memory_space<vmem>>) target(%dma_start3A_499 : memref<16x2xf32, #tpu.memory_space<hbm>>) target_semaphore(%arg8 : memref<!tpu.dma_semaphore, #tpu.memory_space<semaphore_mem>>)
    %dma_wait3A_503 = arith.constant 0 : i32
    %dma_wait3A_504 = arith.constant 0 : i32
    %dma_wait3A_505 = tpu.memref_slice %arg5[%dma_wait3A_503, %dma_wait3A_504] : memref<128x2xf32, #tpu.memory_space<vmem>> -> memref<16x2xf32, #tpu.memory_space<vmem>>
    %dma_wait3A_506 = arith.constant 0 : i32
    %dma_wait3A_507 = tpu.memref_slice %arg3[%add3A_163, %dma_wait3A_506] : memref<4096x2xf32, #tpu.memory_space<hbm>> -> memref<16x2xf32, #tpu.memory_space<hbm>>
    %dma_wait3A_508 = arith.constant 0 : i32
    %dma_wait3A_509 = tpu.memref_slice %arg3[%add3A_163, %dma_wait3A_508] : memref<4096x2xf32, #tpu.memory_space<hbm>> -> memref<16x2xf32, #tpu.memory_space<hbm>>
    %dma_wait3A_510 = arith.constant 0 : i32
    %dma_wait3A_511 = arith.constant 0 : i32
    %dma_wait3A_512 = tpu.memref_slice %arg5[%dma_wait3A_510, %dma_wait3A_511] : memref<128x2xf32, #tpu.memory_space<vmem>> -> memref<16x2xf32, #tpu.memory_space<vmem>>
    tpu.wait_dma2 semaphore(%arg8 : memref<!tpu.dma_semaphore, #tpu.memory_space<semaphore_mem>>) src(%dma_wait3A_512 : memref<16x2xf32, #tpu.memory_space<vmem>>) dst(%dma_wait3A_509 : memref<16x2xf32, #tpu.memory_space<hbm>>)
    %dma_wait3A_513 = arith.constant 16 : i32
    %dma_wait3A_514 = arith.constant 0 : i32
    %dma_wait3A_515 = tpu.memref_slice %arg5[%dma_wait3A_513, %dma_wait3A_514] : memref<128x2xf32, #tpu.memory_space<vmem>> -> memref<16x2xf32, #tpu.memory_space<vmem>>
    %dma_wait3A_516 = arith.constant 0 : i32
    %dma_wait3A_517 = tpu.memref_slice %arg3[%add3A_210, %dma_wait3A_516] : memref<4096x2xf32, #tpu.memory_space<hbm>> -> memref<16x2xf32, #tpu.memory_space<hbm>>
    %dma_wait3A_518 = arith.constant 0 : i32
    %dma_wait3A_519 = tpu.memref_slice %arg3[%add3A_210, %dma_wait3A_518] : memref<4096x2xf32, #tpu.memory_space<hbm>> -> memref<16x2xf32, #tpu.memory_space<hbm>>
    %dma_wait3A_520 = arith.constant 16 : i32
    %dma_wait3A_521 = arith.constant 0 : i32
    %dma_wait3A_522 = tpu.memref_slice %arg5[%dma_wait3A_520, %dma_wait3A_521] : memref<128x2xf32, #tpu.memory_space<vmem>> -> memref<16x2xf32, #tpu.memory_space<vmem>>
    tpu.wait_dma2 semaphore(%arg8 : memref<!tpu.dma_semaphore, #tpu.memory_space<semaphore_mem>>) src(%dma_wait3A_522 : memref<16x2xf32, #tpu.memory_space<vmem>>) dst(%dma_wait3A_519 : memref<16x2xf32, #tpu.memory_space<hbm>>)
    %dma_wait3A_523 = arith.constant 32 : i32
    %dma_wait3A_524 = arith.constant 0 : i32
    %dma_wait3A_525 = tpu.memref_slice %arg5[%dma_wait3A_523, %dma_wait3A_524] : memref<128x2xf32, #tpu.memory_space<vmem>> -> memref<16x2xf32, #tpu.memory_space<vmem>>
    %dma_wait3A_526 = arith.constant 0 : i32
    %dma_wait3A_527 = tpu.memref_slice %arg3[%add3A_257, %dma_wait3A_526] : memref<4096x2xf32, #tpu.memory_space<hbm>> -> memref<16x2xf32, #tpu.memory_space<hbm>>
    %dma_wait3A_528 = arith.constant 0 : i32
    %dma_wait3A_529 = tpu.memref_slice %arg3[%add3A_257, %dma_wait3A_528] : memref<4096x2xf32, #tpu.memory_space<hbm>> -> memref<16x2xf32, #tpu.memory_space<hbm>>
    %dma_wait3A_530 = arith.constant 32 : i32
    %dma_wait3A_531 = arith.constant 0 : i32
    %dma_wait3A_532 = tpu.memref_slice %arg5[%dma_wait3A_530, %dma_wait3A_531] : memref<128x2xf32, #tpu.memory_space<vmem>> -> memref<16x2xf32, #tpu.memory_space<vmem>>
    tpu.wait_dma2 semaphore(%arg8 : memref<!tpu.dma_semaphore, #tpu.memory_space<semaphore_mem>>) src(%dma_wait3A_532 : memref<16x2xf32, #tpu.memory_space<vmem>>) dst(%dma_wait3A_529 : memref<16x2xf32, #tpu.memory_space<hbm>>)
    %dma_wait3A_533 = arith.constant 48 : i32
    %dma_wait3A_534 = arith.constant 0 : i32
    %dma_wait3A_535 = tpu.memref_slice %arg5[%dma_wait3A_533, %dma_wait3A_534] : memref<128x2xf32, #tpu.memory_space<vmem>> -> memref<16x2xf32, #tpu.memory_space<vmem>>
    %dma_wait3A_536 = arith.constant 0 : i32
    %dma_wait3A_537 = tpu.memref_slice %arg3[%add3A_304, %dma_wait3A_536] : memref<4096x2xf32, #tpu.memory_space<hbm>> -> memref<16x2xf32, #tpu.memory_space<hbm>>
    %dma_wait3A_538 = arith.constant 0 : i32
    %dma_wait3A_539 = tpu.memref_slice %arg3[%add3A_304, %dma_wait3A_538] : memref<4096x2xf32, #tpu.memory_space<hbm>> -> memref<16x2xf32, #tpu.memory_space<hbm>>
    %dma_wait3A_540 = arith.constant 48 : i32
    %dma_wait3A_541 = arith.constant 0 : i32
    %dma_wait3A_542 = tpu.memref_slice %arg5[%dma_wait3A_540, %dma_wait3A_541] : memref<128x2xf32, #tpu.memory_space<vmem>> -> memref<16x2xf32, #tpu.memory_space<vmem>>
    tpu.wait_dma2 semaphore(%arg8 : memref<!tpu.dma_semaphore, #tpu.memory_space<semaphore_mem>>) src(%dma_wait3A_542 : memref<16x2xf32, #tpu.memory_space<vmem>>) dst(%dma_wait3A_539 : memref<16x2xf32, #tpu.memory_space<hbm>>)
    %dma_wait3A_543 = arith.constant 64 : i32
    %dma_wait3A_544 = arith.constant 0 : i32
    %dma_wait3A_545 = tpu.memref_slice %arg5[%dma_wait3A_543, %dma_wait3A_544] : memref<128x2xf32, #tpu.memory_space<vmem>> -> memref<16x2xf32, #tpu.memory_space<vmem>>
    %dma_wait3A_546 = arith.constant 0 : i32
    %dma_wait3A_547 = tpu.memref_slice %arg3[%add3A_351, %dma_wait3A_546] : memref<4096x2xf32, #tpu.memory_space<hbm>> -> memref<16x2xf32, #tpu.memory_space<hbm>>
    %dma_wait3A_548 = arith.constant 0 : i32
    %dma_wait3A_549 = tpu.memref_slice %arg3[%add3A_351, %dma_wait3A_548] : memref<4096x2xf32, #tpu.memory_space<hbm>> -> memref<16x2xf32, #tpu.memory_space<hbm>>
    %dma_wait3A_550 = arith.constant 64 : i32
    %dma_wait3A_551 = arith.constant 0 : i32
    %dma_wait3A_552 = tpu.memref_slice %arg5[%dma_wait3A_550, %dma_wait3A_551] : memref<128x2xf32, #tpu.memory_space<vmem>> -> memref<16x2xf32, #tpu.memory_space<vmem>>
    tpu.wait_dma2 semaphore(%arg8 : memref<!tpu.dma_semaphore, #tpu.memory_space<semaphore_mem>>) src(%dma_wait3A_552 : memref<16x2xf32, #tpu.memory_space<vmem>>) dst(%dma_wait3A_549 : memref<16x2xf32, #tpu.memory_space<hbm>>)
    %dma_wait3A_553 = arith.constant 80 : i32
    %dma_wait3A_554 = arith.constant 0 : i32
    %dma_wait3A_555 = tpu.memref_slice %arg5[%dma_wait3A_553, %dma_wait3A_554] : memref<128x2xf32, #tpu.memory_space<vmem>> -> memref<16x2xf32, #tpu.memory_space<vmem>>
    %dma_wait3A_556 = arith.constant 0 : i32
    %dma_wait3A_557 = tpu.memref_slice %arg3[%add3A_398, %dma_wait3A_556] : memref<4096x2xf32, #tpu.memory_space<hbm>> -> memref<16x2xf32, #tpu.memory_space<hbm>>
    %dma_wait3A_558 = arith.constant 0 : i32
    %dma_wait3A_559 = tpu.memref_slice %arg3[%add3A_398, %dma_wait3A_558] : memref<4096x2xf32, #tpu.memory_space<hbm>> -> memref<16x2xf32, #tpu.memory_space<hbm>>
    %dma_wait3A_560 = arith.constant 80 : i32
    %dma_wait3A_561 = arith.constant 0 : i32
    %dma_wait3A_562 = tpu.memref_slice %arg5[%dma_wait3A_560, %dma_wait3A_561] : memref<128x2xf32, #tpu.memory_space<vmem>> -> memref<16x2xf32, #tpu.memory_space<vmem>>
    tpu.wait_dma2 semaphore(%arg8 : memref<!tpu.dma_semaphore, #tpu.memory_space<semaphore_mem>>) src(%dma_wait3A_562 : memref<16x2xf32, #tpu.memory_space<vmem>>) dst(%dma_wait3A_559 : memref<16x2xf32, #tpu.memory_space<hbm>>)
    %dma_wait3A_563 = arith.constant 96 : i32
    %dma_wait3A_564 = arith.constant 0 : i32
    %dma_wait3A_565 = tpu.memref_slice %arg5[%dma_wait3A_563, %dma_wait3A_564] : memref<128x2xf32, #tpu.memory_space<vmem>> -> memref<16x2xf32, #tpu.memory_space<vmem>>
    %dma_wait3A_566 = arith.constant 0 : i32
    %dma_wait3A_567 = tpu.memref_slice %arg3[%add3A_445, %dma_wait3A_566] : memref<4096x2xf32, #tpu.memory_space<hbm>> -> memref<16x2xf32, #tpu.memory_space<hbm>>
    %dma_wait3A_568 = arith.constant 0 : i32
    %dma_wait3A_569 = tpu.memref_slice %arg3[%add3A_445, %dma_wait3A_568] : memref<4096x2xf32, #tpu.memory_space<hbm>> -> memref<16x2xf32, #tpu.memory_space<hbm>>
    %dma_wait3A_570 = arith.constant 96 : i32
    %dma_wait3A_571 = arith.constant 0 : i32
    %dma_wait3A_572 = tpu.memref_slice %arg5[%dma_wait3A_570, %dma_wait3A_571] : memref<128x2xf32, #tpu.memory_space<vmem>> -> memref<16x2xf32, #tpu.memory_space<vmem>>
    tpu.wait_dma2 semaphore(%arg8 : memref<!tpu.dma_semaphore, #tpu.memory_space<semaphore_mem>>) src(%dma_wait3A_572 : memref<16x2xf32, #tpu.memory_space<vmem>>) dst(%dma_wait3A_569 : memref<16x2xf32, #tpu.memory_space<hbm>>)
    %dma_wait3A_573 = arith.constant 112 : i32
    %dma_wait3A_574 = arith.constant 0 : i32
    %dma_wait3A_575 = tpu.memref_slice %arg5[%dma_wait3A_573, %dma_wait3A_574] : memref<128x2xf32, #tpu.memory_space<vmem>> -> memref<16x2xf32, #tpu.memory_space<vmem>>
    %dma_wait3A_576 = arith.constant 0 : i32
    %dma_wait3A_577 = tpu.memref_slice %arg3[%add3A_492, %dma_wait3A_576] : memref<4096x2xf32, #tpu.memory_space<hbm>> -> memref<16x2xf32, #tpu.memory_space<hbm>>
    %dma_wait3A_578 = arith.constant 0 : i32
    %dma_wait3A_579 = tpu.memref_slice %arg3[%add3A_492, %dma_wait3A_578] : memref<4096x2xf32, #tpu.memory_space<hbm>> -> memref<16x2xf32, #tpu.memory_space<hbm>>
    %dma_wait3A_580 = arith.constant 112 : i32
    %dma_wait3A_581 = arith.constant 0 : i32
    %dma_wait3A_582 = tpu.memref_slice %arg5[%dma_wait3A_580, %dma_wait3A_581] : memref<128x2xf32, #tpu.memory_space<vmem>> -> memref<16x2xf32, #tpu.memory_space<vmem>>
    tpu.wait_dma2 semaphore(%arg8 : memref<!tpu.dma_semaphore, #tpu.memory_space<semaphore_mem>>) src(%dma_wait3A_582 : memref<16x2xf32, #tpu.memory_space<vmem>>) dst(%dma_wait3A_579 : memref<16x2xf32, #tpu.memory_space<hbm>>)
    return
  }
}

</mosaic_0001>

<sc_bundles>
// kernel: kernel.3.cloned.1.call-start
scs
__scs_entry_jumppad:
0x0: {  	(pc) =	sbr.rel $0x88, $3  }
0x1: {  	(tag) =	ssettag $0x0;
	lr =	simm.s32 $0x1  }
0x2: {  	[smem:$0x3FA0] =	sst lr;
	_ =	strace $0xD0000000  }
0x3: {  	_ = 	snop  }
0x4: {  	_ = 	snop  }
0x5: {  	_ = 	snop  }
0x6: {  	_ = 	snop  }
0x7: {  	_ = 	snop  }
__scs_overlays_trampoline_lowered:
0x8: {  	[smem:$0x3FAF] =	sst s0  }
0x9: {  	[smem:$0x3FB0] =	sst s1  }
0xa: {  	[smem:$0x3FB1] =	sst s2  }
0xb: {  	[smem:$0x3FB2] =	sst s3  }
0xc: {  	[smem:$0x3FB3] =	sst s4  }
0xd: {  	[smem:$0x3FB4] =	sst s5  }
0xe: {  	[smem:$0x3FB5] =	sst s6  }
0xf: {  	[smem:$0x3FB6] =	sst s7  }
0x10: {  	[smem:$0x3FB7] =	sst s8  }
0x11: {  	[smem:$0x3FB8] =	sst s9;
	s0 =	simm.s32 @!p0 $0x0  }
0x12: {  	s1 =	sld [smem:$0x3F9E];
	s0 =	simm.s32 @p0 $0x1  }
0x13: {  	[smem:$0x3FB9] =	sst s0;
	s0 =	simm.s32 @!p1 $0x0  }
0x14: {  	s2 =	sld [smem:$0x3F9D];
	s0 =	simm.s32 @p1 $0x1  }
0x15: {  	[smem:$0x3FBA] =	sst s0;
	s0 =	simm.s32 @!p2 $0x0  }
0x16: {  	s3 =	sld [smem:$0x3FDB];
	s0 =	simm.s32 @p2 $0x1  }
0x17: {  	s4 =	simm.s32 $0x1BF5;
	[smem:$0x3FBC] =	sst s0  }
0x18: {  	s0 =	sld [smem:$0x3F9F];
	_ =	swait.ge [sflag:s4], $0x0  }
0x19: {  	s7 =	sld [smem:$0x3FA0]  }
0x1a: {  	s8 =	sadd.s32 $0xFFFFE003, lr  }
0x1b: {  	s9 =	sadd.s32 $0xFFFFFEF7, lr;
	s5 =	simm.s32 $0xFFFFFFFF;
	p2 =	slt.u32 s8, $0xFFFFF086  }
0x1c: {  	p1 =	slt.u32 s9, $0xF7A;
	s5 =	simm.s32 @!p2 $0x0  }
0x1d: {  	s5 =	simm.s32 @p1 $0x1;
	p0 =	seq.s32 s7, s2  }
0x1e: {  	s7 =	smul.u32 @!p0 $0xF7A, s2;
	p2 =	seq.s32 @!p0 s5, $0x0  }
0x1f: {  	s9 =	smul.u32 $0xF7A, s1;
	s8 =	simm.s32 @!p0 $0x1BF5;
	p2 =	por !p2, p0  }
0x20: {  	[sflag:s8] =	ssyncset.s32 @!p0 $0xFFFFF086;
	s6 =	sadd.s32 @!p0 s3, s7;
	s7 =	simm.s32 @!p0 $0x108  }
0x21: {  	s3 =	sadd.s32 s3, s9;
	s6 =	sadd.s32 @!p0 $0x88, s6;
	s7 =	simm.s32 @p2 $0x1082  }
0x22: {  	[simem:s7], [sflag:s8] =	dma.local @!p0 [hbm:s6], $0xF7A  }
0x23: {  	s9 =	sor.u32 $0xD0000000, s2;
	s6 =	simm.s32 $0x108;
	_ =	swait.ge @!p0 [sflag:s8], $0x0  }
0x24: {  	s3 =	sadd.s32 $0x88, s3;
	s6 =	simm.s32 @!p1 $0x1082;
	[sflag:s4] =	ssyncset.s32 $0xFFFFF086  }
0x25: {  	[simem:s6], [sflag:s4] =	dma.local [hbm:s3], $0xF7A  }
0x26: {  	[smem:$0x3FA0] =	sst s1;
	(tag) =	ssettag s2;
	_ =	strace s9  }
0x27: {  	s1 =	sld [smem:$0x3FB0]  }
0x28: {  	s2 =	sld [smem:$0x3FB1]  }
0x29: {  	s4 =	sld [smem:$0x3FB3]  }
0x2a: {  	p0 =	seq.s32 s5, $0x0;
	s5 =	sld [smem:$0x3FB4]  }
0x2b: {  	s6 =	sld [smem:$0x3FB5]  }
0x2c: {  	s7 =	sld [smem:$0x3FB6]  }
0x2d: {  	s3 =	simm.s32 $0x108;
	s8 =	sld [smem:$0x3FB7]  }
0x2e: {  	s3 =	simm.s32 @!p0 $0x1082;
	s9 =	sld [smem:$0x3FB8]  }
0x2f: {  	lr =	sadd.s32 s0, s3;
	s0 =	sld [smem:$0x3FAF]  }
0x30: {  	s3 =	sld [smem:$0x3FB2]  }
0x31: {  	[smem:$0x3FBB] =	sst s10  }
0x32: {  	s10 =	sld [smem:$0x3FB9];
	_ =	sdelay $0x3  }
0x33: {  	p0 =	seq.s32 s10, $0x1;
	s10 =	sld [smem:$0x3FBB];
	_ =	sdelay $0x3  }
0x34: {  	[smem:$0x3FBB] =	sst s10  }
0x35: {  	s10 =	sld [smem:$0x3FBA];
	_ =	sdelay $0x3  }
0x36: {  	p1 =	seq.s32 s10, $0x1;
	s10 =	sld [smem:$0x3FBB];
	_ =	sdelay $0x3  }
0x37: {  	[smem:$0x3FBB] =	sst s10  }
0x38: {  	s10 =	sld [smem:$0x3FBC]  }
0x39: {  	_ = 	snop;
	(pc) =	sbr.ind lr, $3  }
0x3a: {  	_ = 	snop  }
0x3b: {  	_ = 	snop  }
0x3c: {  	p2 =	seq.s32 s10, $0x1;
	s10 =	sld [smem:$0x3FBB]  }
0x3d: {  	_ =	shalt  }
0x3e: {  	_ =	shalt  }
0x3f: {  	_ =	shalt  }
0x40: {  	_ =	shalt  }
0x41: {  	_ =	shalt  }
0x42: {  	_ =	shalt  }
0x43: {  	_ =	shalt  }
0x44: {  	_ =	shalt  }
0x45: {  	_ =	shalt  }
0x46: {  	_ =	shalt  }
0x47: {  	_ =	shalt  }
0x48: {  	_ =	shalt  }
0x49: {  	_ =	shalt  }
0x4a: {  	_ =	shalt  }
0x4b: {  	_ =	shalt  }
0x4c: {  	_ =	shalt  }
0x4d: {  	_ =	shalt  }
0x4e: {  	_ =	shalt  }
0x4f: {  	_ =	shalt  }
0x50: {  	_ =	shalt  }
0x51: {  	_ =	shalt  }
0x52: {  	_ =	shalt  }
0x53: {  	_ =	shalt  }
0x54: {  	_ =	shalt  }
0x55: {  	_ =	shalt  }
0x56: {  	_ =	shalt  }
0x57: {  	_ =	shalt  }
0x58: {  	_ =	shalt  }
0x59: {  	_ =	shalt  }
0x5a: {  	_ =	shalt  }
0x5b: {  	_ =	shalt  }
0x5c: {  	_ =	shalt  }
0x5d: {  	_ =	shalt  }
0x5e: {  	_ =	shalt  }
0x5f: {  	_ =	shalt  }
0x60: {  	_ =	shalt  }
0x61: {  	_ =	shalt  }
0x62: {  	_ =	shalt  }
0x63: {  	_ =	shalt  }
0x64: {  	_ =	shalt  }
0x65: {  	_ =	shalt  }
0x66: {  	_ =	shalt  }
0x67: {  	_ =	shalt  }
0x68: {  	_ =	shalt  }
0x69: {  	_ =	shalt  }
0x6a: {  	_ =	shalt  }
0x6b: {  	_ =	shalt  }
0x6c: {  	_ =	shalt  }
0x6d: {  	_ =	shalt  }
0x6e: {  	_ =	shalt  }
0x6f: {  	_ =	shalt  }
0x70: {  	_ =	shalt  }
0x71: {  	_ =	shalt  }
0x72: {  	_ =	shalt  }
0x73: {  	_ =	shalt  }
0x74: {  	_ =	shalt  }
0x75: {  	_ =	shalt  }
0x76: {  	_ =	shalt  }
0x77: {  	_ =	shalt  }
0x78: {  	_ =	shalt  }
0x79: {  	_ =	shalt  }
0x7a: {  	_ =	shalt  }
0x7b: {  	_ =	shalt  }
0x7c: {  	_ =	shalt  }
0x7d: {  	_ =	shalt  }
0x7e: {  	_ =	shalt  }
0x7f: {  	_ =	shalt  }
0x80: {  	_ =	shalt  }
0x81: {  	_ =	shalt  }
0x82: {  	_ =	shalt  }
0x83: {  	_ =	shalt  }
0x84: {  	_ =	shalt  }
0x85: {  	_ =	shalt  }
0x86: {  	_ =	shalt  }
0x87: {  	_ =	shalt  }
.Lfunc_end0:
.L_simem_size_0:
called_computation_lowered:
.L_overlay_start_0:
0x88: {  	s2 =	sld [smem:$0x3FD9]  }
0x89: {  	s3 =	sld [smem:$0x3FFE];
	_ =	sdelay $0x1  }
0x8a: {  	s1 =	srdreg.scid  }
0x8b: {  	s0 =	sand.u32 $0x1, s1  }
0x8c: {  	s17 =	sshll.u32 s0, $0xA;
	s2 =	sadd.s32 s3, s2  }
0x8d: {  	s2 =	sadd.s32 s2, s17  }
0x8e: {  	[smem:$0x3FC7] =	sst s2  }
0x8f: {  	_ = 	snop  }
0x90: {  	s2 =	sld [smem:$0x3FC9];
	(tm) =	ssettm $0x1  }
0x91: {  	s18 =	sld [smem:$0x3FFB];
	_ =	sdelay $0x3  }
0x92: {  	_ =	strace s18  }
0x93: {  	s3 =	sld [smem:$0x3FFC];
	_ =	sdelay $0x3  }
0x94: {  	_ =	strace s3  }
0x95: {  	s3 =	sld [smem:$0x3FFD];
	_ =	sdelay $0x3  }
0x96: {  	_ =	strace s3  }
0x97: {  	_ =	strace $0x8FFFFFFF  }
0x98: {  	s19 =	sld [smem:$0x3FDB];
	_ =	sdelay $0x1  }
0x99: {  	s4 =	simm.s32 $_scs_section_size  }
0x9a: {  	s5 =	simm.s32 $_size__tile_overlayer_lowered;
	s6 =	simm.s32 $_tile_overlayer_lowered  }
0x9b: {  	s22 =	simm.s32 $0x1BFF;
	s21 =	sshll.u32 s6, $0x1;
	s3 =	sadd.s32 s4, s19  }
0x9c: {  	s7 =	simm.s32 $0x0;
	s20 =	sshll.u32 s5, $0x1;
	s5 =	sadd.s32 s21, s3  }
0x9d: {  	[timem:s7], [sflag:s22] =	dma.local [hbm:s5], s20  }
0x9e: {  	_ =	swait.ge [sflag:s22], s20  }
0x9f: {  	s4 =	ssub.s32 $0x0, s20;
	[sflag:s22] =	ssyncset.done $0x0  }
0xa0: {  	[sflag:s22] =	ssyncadd.s32 s4;
	_ =	sdelay $0x1  }
0xa1: {  	s23 =	simm.s32 $0x1B8B  }
0xa2: {  	_ =	swait.ge [sflag:s23], $0x1  }
0xa3: {  	[sflag:s23] =	ssyncset.done $0x0  }
0xa4: {  	s25 =	simm.s32 $0x1B8E;
	s24 =	sld [smem:$0x3FFE];
	[sflag:s23] =	ssyncadd.s32 $0xFFFFFFFF  }
0xa5: {  	s26 =	simm.s32 $execute0_lowered;
	[smem:$0x3FD2] =	sst s25  }
0xa6: {  	s5 =	sshll.u32 s26, $0x1;
	_ =	strace $0x80000046;
	[dreg:$0x1] =	wrdreg $0xFFFFFFFF  }
0xa7: {  	s28 =	simm.s32 $_size_execute0_lowered;
	s3 =	sadd.s32 s3, s5;
	[dreg:$0x0] =	wrdreg $0x0  }
0xa8: {  	s5 =	sshll.u32 s28, $0x1;
	[dreg:$0x2] =	wrdreg s3  }
0xa9: {  	[dreg:$0x3] =	wrdreg s5  }
0xaa: {  	[dreg:$0x4] =	wrdreg $0xC0  }
0xab: {  	_ =	task [dreg:s7], $0x5FFFF  }
0xac: {  	[dreg:$0x1] =	wrdreg $0xFFFFFFFF  }
0xad: {  	[dreg:$0x0] =	wrdreg $0x60  }
0xae: {  	[dreg:$0x2] =	wrdreg s2  }
0xaf: {  	[dreg:$0x3] =	wrdreg s24  }
0xb0: {  	[dreg:$0x4] =	wrdreg $0x9  }
0xb1: {  	_ =	task.clear_ibuf [dreg:s7], $0x5FFFF;
	_ =	strace $0x90000046  }
0xb2: {  	s29 =	simm.s32 $0x9;
	_ =	strace $0x80000048  }
0xb3: {  	_ =	swait.ge [sflag:s29], $0x1  }
0xb4: {  	[sflag:s29] =	ssyncadd.s32 $0xFFFFFFFF  }
0xb5: {  	_ =	strace $0x90000048  }
0xb6: {  	_ =	sfence  }
0xb7: {  	s30 =	sld [smem:$0x0];
	_ =	sdelay $0x2  }
0xb8: {  	s31 =	sshll.u32 s1, $0xD;
	s1 =	sshrl.u32 s1, $0x2  }
0xb9: {  	s3 =	sand.u32 $0x4000, s31;
	s1 =	sadd.s32 s1, s30  }
0xba: {  	s0 =	sor.u32 s3, s0;
	s1 =	sshll.u32 s1, $0x11  }
0xbb: {  	s0 =	sor.u32 s1, s0  }
0xbc: {  	s0 =	sadd.s32 $0x8F2B, s0  }
0xbd: {  	[sflag:s0] =	ssyncadd.remote.s32 $0x1  }
0xbe: {  	_ =	sfence.sel $0xFFFF  }
0xbf: {  	[dreg:$0x0] =	wrdreg $0xFFFFFFFF;
	(pc) =	sbr.abs _section_cstart, $3  }
0xc0: {  	[dreg:$0x1] =	wrdreg $0xFFFFFFFF  }
0xc1: {  	_ =	task.clear_ibuf [dreg:s7], $0x2FFFF;
	_ =	strace $0x9FFFFFFF  }
0xc2: {  	(tm) =	ssettm $0x7FFFFFFF  }
0xc3: {  	_ =	shalt  }
tec
execute0_lowered:
.L_overlay_start_1:
0x0: {  	(tag) =	ssettag $0x1  }
0x1: {  	s1 =	srdreg.scid  }
0x2: {  	s0 =	stileid.u32;
	s25 =	sand.u32 $0x1, s1  }
0x3: {  	s18 =	sshll.u32 s0, $0x8;
	s2 =	sshll.u32 s25, $0x7  }
0x4: {  	v19 =	vlaneseq.u32;
	s7 =	sor.u32 s2, s18  }
0x5: {  	v11 =	vmul.u32 $0x40, v19;
	v0 =	vmov s7  }
0x6: {  	v0 =	vshll.u32 v0, $0x6  }
0x7: {  	v0 =	vor.u32 v11, v0  }
0x8: {  	v12 =	vand.u32 $0x7, v19;
	s9 =	sor.u32 $0x10, s7;
	v1 =	vor.u32 $0x2, v0;
	v0 =	vshrl.u32 v19, $0x3  }
0x9: {  	s12 =	sor.u32 $0x30, s7;
	v2 =	vperm.xlane v1, v12;
	v15 =	vmul.u32 $0x8, v0;
	v0 =	vmov s9  }
0xa: {  	v14 =	vor.u32 $0x8, v19;
	v6 =	vmov s12;
	v3 =	vshll.u32 v0, $0x6  }
0xb: {  	s10 =	sor.u32 $0x20, s7;
	v1 =	vperm.xlane v1, v14;
	v0 =	vadd.s32 v15, v2;
	v2 =	vor.u32 v11, v3  }
0xc: {  	v6 =	vshll.u32 v6, $0x6;
	v3 =	vor.u32 $0x2, v2;
	v2 =	vmov s10  }
0xd: {  	s6 =	rddreg [dreg:$0x1];
	s3 =	simm.s32 $0x0;
	v1 =	vadd.s32 v15, v1;
	v4 =	vperm.xlane v3, v12;
	v2 =	vshll.u32 v2, $0x6  }
0xe: {  	vm0 =	vmmov $0xffff;
	[smem:$0x7FF] =	sst s3;
	v6 =	vor.u32 v11, v6;
	v5 =	vor.u32 v11, v2  }
0xf: {  	s2 =	rddreg [dreg:$0x0];
	_ =	strace $0x80000047;
	s13 =	sor.u32 $0x40, s7;
	v3 =	vperm.xlane v3, v14;
	v2 =	vadd.s32 v15, v4;
	v4 =	vor.u32 $0x2, v5  }
0x10: {  	v5 =	vperm.xlane v4, v12;
	v7 =	vperm.xlane v4, v14;
	[tilespmem:s3], [sflag:$0x1] =	stream.indirect_vreg.gather [hbm4b:s2+s3], $0x80, v0, vm0, $0xb8;
	[tilespmem:$0xC000] =	vst v63  }
0x11: {  	s4 =	simm.s32 $0x800;
	s1 =	sor.u32 $0x50, s7;
	v8 =	vmov s13;
	v6 =	vor.u32 $0x2, v6;
	v3 =	vadd.s32 v15, v3  }
0x12: {  	v4 =	vadd.s32 v15, v5;
	v5 =	vadd.s32 v15, v7;
	v7 =	vshll.u32 v8, $0x6;
	[tilespmem:s4], [sflag:$0x1] =	stream.indirect_vreg.gather [hbm4b:s2+s3], $0x80, v1, vm0, $0xb8;
	[tilespmem:$0xC000] =	vst v63  }
0x13: {  	s5 =	simm.s32 $0x1000;
	v9 =	vmov s1;
	v8 =	vperm.xlane v6, v12;
	v7 =	vor.u32 v11, v7  }
0x14: {  	v10 =	vperm.xlane v6, v14;
	v13 =	vor.u32 $0x2, v7;
	v7 =	vshll.u32 v9, $0x6;
	[tilespmem:s5], [sflag:$0x2] =	stream.indirect_vreg.gather [hbm4b:s2+s3], $0x80, v2, vm0, $0xb8;
	[tilespmem:$0xC000] =	vst v63  }
0x15: {  	s28 =	sadd.s32 $0x400, s6;
	s6 =	simm.s32 $0x1800;
	s16 =	sor.u32 $0x60, s7;
	v6 =	vadd.s32 v15, v8;
	v8 =	vperm.xlane v13, v12;
	v9 =	vor.u32 v11, v7  }
0x16: {  	v7 =	vadd.s32 v15, v10;
	v10 =	vperm.xlane v13, v14;
	v13 =	vor.u32 $0x2, v9;
	[tilespmem:s6], [sflag:$0x2] =	stream.indirect_vreg.gather [hbm4b:s2+s3], $0x80, v3, vm0, $0xb8;
	[tilespmem:$0xC000] =	vst v63  }
0x17: {  	s30 =	sor.u32 $0x70, s7;
	s8 =	sshll.u32 s7, $0x4;
	s7 =	simm.s32 $0x2000;
	v17 =	vmov s16;
	v16 =	vperm.xlane v13, v12  }
0x18: {  	v18 =	vmov s30;
	v17 =	vshll.u32 v17, $0x6;
	v8 =	vadd.s32 v15, v8;
	[tilespmem:s7], [sflag:$0x1] =	stream.indirect_vreg.gather [hbm4b:s2+s3], $0x80, v4, vm0, $0xb8;
	[tilespmem:$0xC000] =	vst v63  }
0x19: {  	s11 =	sadd.s32 s28, s8;
	s8 =	simm.s32 $0x2800;
	v9 =	vadd.s32 v15, v10;
	v10 =	vadd.s32 v15, v16;
	v16 =	vor.u32 v11, v17  }
0x1a: {  	v13 =	vperm.xlane v13, v14;
	v17 =	vshll.u32 v18, $0x6;
	v16 =	vor.u32 $0x2, v16;
	[tilespmem:s8], [sflag:$0x1] =	stream.indirect_vreg.gather [hbm4b:s2+s3], $0x80, v5, vm0, $0xb8;
	[tilespmem:$0xC000] =	vst v63  }
0x1b: {  	s19 =	sshll.u32 s9, $0x4;
	s14 =	sshll.u32 s10, $0x4;
	s9 =	simm.s32 $0x3000;
	v11 =	vor.u32 v11, v17;
	v17 =	vperm.xlane v16, v12;
	v16 =	vperm.xlane v16, v14  }
0x1c: {  	vm1 =	vcmask $0x300;
	v18 =	vor.u32 $0x2, v11;
	v11 =	vadd.s32 v15, v13;
	[tilespmem:s9], [sflag:$0x2] =	stream.indirect_vreg.gather [hbm4b:s2+s3], $0x80, v6, vm0, $0xb8;
	[tilespmem:$0xC000] =	vst v63  }
0x1d: {  	[dreg:$0x3] =	wrdreg s11;
	s11 =	sadd.s32 s28, s19;
	s10 =	simm.s32 $0x3800;
	v20 =	vperm.xlane v18, v12;
	v13 =	vadd.s32 v15, v16;
	v16 =	vperm.xlane v18, v14  }
0x1e: {  	vm2 =	vcmask $0x704;
	v12 =	vadd.s32 v15, v17;
	v17 =	vimm.s32 $0xB80;
	[tilespmem:s10], [sflag:$0x2] =	stream.indirect_vreg.gather [hbm4b:s2+s3], $0x80, v7, vm0, $0xb8;
	[tilespmem:$0xC000] =	vst v63  }
0x1f: {  	s20 =	sshll.u32 s12, $0x4;
	[dreg:$0x4] =	wrdreg s11;
	s11 =	simm.s32 $0x4000;
	v14 =	vadd.s32 v15, v20;
	v15 =	vadd.s32 v15, v16;
	v16 =	vsel vm1, $0x0, v17  }
0x20: {  	vm3 =	vcmask $0xB08;
	v16 =	vsel vm2, $0x80, v16;
	[tilespmem:s11], [sflag:$0x1] =	stream.indirect_vreg.gather [hbm4b:s2+s3], $0x80, v8, vm0, $0xb8;
	[tilespmem:$0xC000] =	vst v63  }
0x21: {  	vm4 =	vcmask $0xF0C;
	s12 =	simm.s32 $0x4800;
	s15 =	sshll.u32 s13, $0x4;
	s14 =	sadd.s32 s28, s14;
	v16 =	vsel vm3, $0x100, v16  }
0x22: {  	vm5 =	vcmask $0x1310;
	v17 =	vimm.s32 $0xB81;
	v16 =	vsel vm4, $0x180, v16;
	[tilespmem:s12], [sflag:$0x1] =	stream.indirect_vreg.gather [hbm4b:s2+s3], $0x80, v9, vm0, $0xb8;
	[tilespmem:$0xC000] =	vst v63  }
0x23: {  	vm7 =	vcmask $0x1714;
	s13 =	simm.s32 $0x5000;
	[dreg:$0x5] =	wrdreg s14;
	s14 =	sadd.s32 s28, s20;
	v17 =	vsel vm1, $0x1, v17;
	v16 =	vsel vm5, $0x200, v16  }
0x24: {  	vm6 =	vcmask $0x1B18;
	v17 =	vsel vm2, $0x81, v17;
	v16 =	vsel vm7, $0x280, v16;
	[tilespmem:s13], [sflag:$0x2] =	stream.indirect_vreg.gather [hbm4b:s2+s3], $0x80, v10, vm0, $0xb8;
	[tilespmem:$0xC000] =	vst v63  }
0x25: {  	vm8 =	vcmask $0x1F1C;
	s15 =	sadd.s32 s28, s15;
	[dreg:$0x6] =	wrdreg s14;
	s14 =	simm.s32 $0x5800;
	v17 =	vsel vm3, $0x101, v17;
	v16 =	vsel vm6, $0x300, v16  }
0x26: {  	vm9 =	vcmask $0x2320;
	v17 =	vsel vm4, $0x181, v17;
	v16 =	vsel vm8, $0x380, v16;
	[tilespmem:s14], [sflag:$0x2] =	stream.indirect_vreg.gather [hbm4b:s2+s3], $0x80, v11, vm0, $0xb8;
	[tilespmem:$0xC000] =	vst v63  }
0x27: {  	vm10 =	vcmask $0x2724;
	s1 =	sshll.u32 s1, $0x4;
	[dreg:$0x7] =	wrdreg s15;
	s15 =	simm.s32 $0x6000;
	v17 =	vsel vm5, $0x201, v17;
	v16 =	vsel vm9, $0x800, v16  }
0x28: {  	vm11 =	vcmask $0x2B28;
	v17 =	vsel vm7, $0x281, v17;
	v16 =	vsel vm10, $0x880, v16;
	[tilespmem:s15], [sflag:$0x1] =	stream.indirect_vreg.gather [hbm4b:s2+s3], $0x80, v12, vm0, $0xb8;
	[tilespmem:$0xC000] =	vst v63  }
0x29: {  	vm12 =	vcmask $0x2F2C;
	s17 =	sshll.u32 s16, $0x4;
	s16 =	simm.s32 $0x6800;
	s1 =	sadd.s32 s28, s1;
	v17 =	vsel vm6, $0x301, v17;
	v16 =	vsel vm11, $0x900, v16  }
0x2a: {  	vm13 =	vcmask $0x3330;
	v17 =	vsel vm8, $0x381, v17;
	v16 =	vsel vm12, $0x980, v16;
	[tilespmem:s16], [sflag:$0x1] =	stream.indirect_vreg.gather [hbm4b:s2+s3], $0x80, v13, vm0, $0xb8;
	[tilespmem:$0xC000] =	vst v63  }
0x2b: {  	vm15 =	vcmask $0x3734;
	s21 =	sadd.s32 s28, s17;
	s17 =	simm.s32 $0x7000;
	[dreg:$0x8] =	wrdreg s1;
	v17 =	vsel vm9, $0x801, v17;
	v16 =	vsel vm13, $0xA00, v16  }
0x2c: {  	vm14 =	vcmask $0x3B38;
	v17 =	vsel vm10, $0x881, v17;
	v16 =	vsel vm15, $0xA80, v16;
	[tilespmem:s17], [sflag:$0x2] =	stream.indirect_vreg.gather [hbm4b:s2+s3], $0x80, v14, vm0, $0xb8;
	[tilespmem:$0xC000] =	vst v63  }
0x2d: {  	s18 =	simm.s32 $0x7800;
	s19 =	simm.s32 $0x1;
	[dreg:$0x9] =	wrdreg s21;
	v17 =	vsel vm11, $0x901, v17;
	v16 =	vsel vm14, $0xB00, v16  }
0x2e: {  	v17 =	vsel vm12, $0x981, v17;
	[tilespmem:s18], [sflag:$0x2] =	stream.indirect_vreg.gather [hbm4b:s2+s3], $0x80, v15, vm0, $0xb8;
	[tilespmem:$0xC000] =	vst v63  }
0x2f: {  	v17 =	vsel vm13, $0xA01, v17;
	_ =	swait.ge [sflag:s19], $0x1000  }
0x30: {  	v17 =	vsel vm15, $0xA81, v17;
	[sflag:s19] =	ssyncset.done $0x0  }
0x31: {  	v17 =	vsel vm14, $0xB01, v17;
	[sflag:s19] =	ssyncadd.s32 $0xFFFFF000  }
0x32: {  	v18 =	vld.idx.msk [tilespmem:v16+s3+$0x0], $0xffff;
	_ =	sdelay $0x3  }
0x33: {  	v21 =	vimm.s32 $0x1B80;
	v20 =	vld.idx.msk [tilespmem:v17+s3+$0x0], $0xffff  }
0x34: {  	v21 =	vsel vm1, $0x1000, v21;
	vm4 =	vmmov vm1;
	vm1 =	vgt.f32 v18, $0.0e+00  }
0x35: {  	v22 =	vimm.s32 $0x1B81;
	v21 =	vsel vm2, $0x1080, v21;
	v23 =	vsel vm1, $0x3F800000, v18  }
0x36: {  	v18 =	vsel vm3, $0x1100, v21;
	v21 =	vsel vm4, $0x1001, v22;
	vm4 =	vcmask $0xF0C  }
0x37: {  	v19 =	vmul.u32 $0x80, v19;
	v18 =	vsel vm4, $0x1180, v18;
	v21 =	vsel vm2, $0x1081, v21  }
0x38: {  	vm1 =	vgt.f32 v20, $0.0e+00;
	v22 =	vsel vm5, $0x1200, v18;
	v21 =	vsel vm3, $0x1101, v21  }
0x39: {  	v20 =	vsel vm1, $0x3F800000, v20;
	v22 =	vsel vm7, $0x1280, v22;
	v21 =	vsel vm4, $0x1181, v21  }
0x3a: {  	v18 =	vimm.f32 $-1.000000000e+02;
	v22 =	vsel vm6, $0x1300, v22;
	v21 =	vsel vm5, $0x1201, v21  }
0x3b: {  	v23 =	vadd.f32 v20, v23;
	v22 =	vsel vm8, $0x1380, v22;
	v21 =	vsel vm7, $0x1281, v21  }
0x3c: {  	v20 =	vor.u32 $0x1, v19;
	v22 =	vsel vm9, $0x1800, v22;
	v21 =	vsel vm6, $0x1301, v21  }
0x3d: {  	vm1 =	vgt.f32 v23, $0.0e+00;
	v22 =	vsel vm10, $0x1880, v22;
	v21 =	vsel vm8, $0x1381, v21  }
0x3e: {  	v23 =	vsel vm1, $0x42C80000, v18;
	v22 =	vsel vm11, $0x1900, v22;
	v21 =	vsel vm9, $0x1801, v21  }
0x3f: {  	v24 =	vsub.f32 $0.0e+00, v23;
	v22 =	vsel vm12, $0x1980, v22;
	v21 =	vsel vm10, $0x1881, v21  }
0x40: {  	s20 =	simm.s32 $0x8000;
	v22 =	vsel vm13, $0x1A00, v22;
	v21 =	vsel vm11, $0x1901, v21  }
0x41: {  	[tilespmem:v19+s20+$0x0] =	vst.idx.msk $0xffff, v24;
	v22 =	vsel vm15, $0x1A80, v22;
	v25 =	vsel vm12, $0x1981, v21  }
0x42: {  	s21 =	simm.s32 $0x2;
	s22 =	rddreg [dreg:$0x3];
	[tilespmem:v20+s20+$0x0] =	vst.idx.msk $0xffff, v23;
	v21 =	vsel vm14, $0x1B00, v22;
	v22 =	vsel vm13, $0x1A01, v25  }
0x43: {  	[hbm4b:s22+s3] =	stream.linear.scatter [tilespmem:s20], [sflag:$0x3], $0x800, $0x38;
	v22 =	vsel vm15, $0x1A81, v22;
	[tilespmem:$0xC000] =	vst v63  }
0x44: {  	_ =	swait.ge [sflag:s21], $0x1000;
	v22 =	vsel vm14, $0x1B01, v22  }
0x45: {  	[sflag:s21] =	ssyncset.done $0x0  }
0x46: {  	[sflag:s21] =	ssyncadd.s32 $0xFFFFF000  }
0x47: {  	v23 =	vld.idx.msk [tilespmem:v21+s3+$0x0], $0xffff;
	_ =	sdelay $0x1  }
0x48: {  	vm1 =	vcmask $0x300;
	v24 =	vimm.s32 $0x2B80;
	v25 =	vld.idx.msk [tilespmem:v22+s3+$0x0], $0xffff  }
0x49: {  	v24 =	vsel vm1, $0x2000, v24  }
0x4a: {  	v26 =	vimm.s32 $0x2B81;
	v24 =	vsel vm2, $0x2080, v24  }
0x4b: {  	v26 =	vsel vm1, $0x2001, v26;
	v24 =	vsel vm3, $0x2100, v24;
	vm1 =	vgt.f32 v23, $0.0e+00  }
0x4c: {  	v27 =	vsel vm1, $0x3F800000, v23;
	v23 =	vsel vm4, $0x2180, v24;
	v24 =	vsel vm2, $0x2081, v26  }
0x4d: {  	v23 =	vsel vm5, $0x2200, v23;
	v24 =	vsel vm3, $0x2101, v24;
	vm1 =	vgt.f32 v25, $0.0e+00  }
0x4e: {  	v25 =	vsel vm1, $0x3F800000, v25;
	v26 =	vsel vm7, $0x2280, v23;
	v24 =	vsel vm4, $0x2181, v24  }
0x4f: {  	v23 =	vor.u32 $0x800, v19;
	v26 =	vsel vm6, $0x2300, v26;
	v24 =	vsel vm5, $0x2201, v24  }
0x50: {  	v25 =	vadd.f32 v25, v27;
	v26 =	vsel vm8, $0x2380, v26;
	v28 =	vsel vm7, $0x2281, v24  }
0x51: {  	v24 =	vor.u32 $0x801, v19;
	v26 =	vsel vm9, $0x2800, v26;
	v27 =	vsel vm6, $0x2301, v28  }
0x52: {  	vm1 =	vgt.f32 v25, $0.0e+00;
	v26 =	vsel vm10, $0x2880, v26;
	v27 =	vsel vm8, $0x2381, v27  }
0x53: {  	v28 =	vsel vm1, $0x42C80000, v18;
	v25 =	vsel vm11, $0x2900, v26;
	v26 =	vsel vm9, $0x2801, v27  }
0x54: {  	v27 =	vsub.f32 $0.0e+00, v28;
	v25 =	vsel vm12, $0x2980, v25;
	v26 =	vsel vm10, $0x2881, v26  }
0x55: {  	v25 =	vsel vm13, $0x2A00, v25;
	v26 =	vsel vm11, $0x2901, v26  }
0x56: {  	[tilespmem:v23+s20+$0x0] =	vst.idx.msk $0xffff, v27;
	v25 =	vsel vm15, $0x2A80, v25;
	v26 =	vsel vm12, $0x2981, v26  }
0x57: {  	s22 =	simm.s32 $0x8800;
	s23 =	rddreg [dreg:$0x4];
	[tilespmem:v24+s20+$0x0] =	vst.idx.msk $0xffff, v28;
	v25 =	vsel vm14, $0x2B00, v25;
	v26 =	vsel vm13, $0x2A01, v26  }
0x58: {  	[hbm4b:s23+s3] =	stream.linear.scatter [tilespmem:s22], [sflag:$0x3], $0x800, $0x38;
	v26 =	vsel vm15, $0x2A81, v26;
	[tilespmem:$0xC000] =	vst v63  }
0x59: {  	_ =	swait.ge [sflag:s19], $0x1000;
	v26 =	vsel vm14, $0x2B01, v26  }
0x5a: {  	[sflag:s19] =	ssyncset.done $0x0  }
0x5b: {  	[sflag:s19] =	ssyncadd.s32 $0xFFFFF000  }
0x5c: {  	v27 =	vld.idx.msk [tilespmem:v25+s3+$0x0], $0xffff;
	_ =	sdelay $0x1  }
0x5d: {  	vm1 =	vcmask $0x300;
	v28 =	vimm.s32 $0x3B80;
	v29 =	vld.idx.msk [tilespmem:v26+s3+$0x0], $0xffff  }
0x5e: {  	v28 =	vsel vm1, $0x3000, v28  }
0x5f: {  	v30 =	vimm.s32 $0x3B81;
	v28 =	vsel vm2, $0x3080, v28  }
0x60: {  	v30 =	vsel vm1, $0x3001, v30;
	v28 =	vsel vm3, $0x3100, v28;
	vm1 =	vgt.f32 v27, $0.0e+00  }
0x61: {  	v31 =	vsel vm1, $0x3F800000, v27;
	v27 =	vsel vm4, $0x3180, v28;
	v28 =	vsel vm2, $0x3081, v30  }
0x62: {  	v27 =	vsel vm5, $0x3200, v27;
	v28 =	vsel vm3, $0x3101, v28;
	vm1 =	vgt.f32 v29, $0.0e+00  }
0x63: {  	v29 =	vsel vm1, $0x3F800000, v29;
	v30 =	vsel vm7, $0x3280, v27;
	v28 =	vsel vm4, $0x3181, v28  }
0x64: {  	v27 =	vor.u32 $0x1000, v19;
	v30 =	vsel vm6, $0x3300, v30;
	v28 =	vsel vm5, $0x3201, v28  }
0x65: {  	v29 =	vadd.f32 v29, v31;
	v30 =	vsel vm8, $0x3380, v30;
	v32 =	vsel vm7, $0x3281, v28  }
0x66: {  	v28 =	vor.u32 $0x1001, v19;
	v30 =	vsel vm9, $0x3800, v30;
	v31 =	vsel vm6, $0x3301, v32  }
0x67: {  	vm1 =	vgt.f32 v29, $0.0e+00;
	v30 =	vsel vm10, $0x3880, v30;
	v31 =	vsel vm8, $0x3381, v31  }
0x68: {  	v48 =	vsel vm1, $0x42C80000, v18;
	v29 =	vsel vm11, $0x3900, v30;
	v30 =	vsel vm9, $0x3801, v31  }
0x69: {  	v31 =	vsub.f32 $0.0e+00, v48;
	v29 =	vsel vm12, $0x3980, v29;
	v30 =	vsel vm10, $0x3881, v30  }
0x6a: {  	v29 =	vsel vm13, $0x3A00, v29;
	v30 =	vsel vm11, $0x3901, v30  }
0x6b: {  	[tilespmem:v27+s20+$0x0] =	vst.idx.msk $0xffff, v31;
	v29 =	vsel vm15, $0x3A80, v29;
	v30 =	vsel vm12, $0x3981, v30  }
0x6c: {  	s23 =	simm.s32 $0x9000;
	s24 =	rddreg [dreg:$0x5];
	[tilespmem:v28+s20+$0x0] =	vst.idx.msk $0xffff, v48;
	v29 =	vsel vm14, $0x3B00, v29;
	v30 =	vsel vm13, $0x3A01, v30  }
0x6d: {  	[hbm4b:s24+s3] =	stream.linear.scatter [tilespmem:s23], [sflag:$0x3], $0x800, $0x38;
	v30 =	vsel vm15, $0x3A81, v30;
	[tilespmem:$0xC000] =	vst v63  }
0x6e: {  	_ =	swait.ge [sflag:s21], $0x1000;
	v30 =	vsel vm14, $0x3B01, v30  }
0x6f: {  	[sflag:s21] =	ssyncset.done $0x0  }
0x70: {  	[sflag:s21] =	ssyncadd.s32 $0xFFFFF000  }
0x71: {  	v31 =	vld.idx.msk [tilespmem:v29+s3+$0x0], $0xffff;
	_ =	sdelay $0x1  }
0x72: {  	v49 =	vimm.s32 $0x4B80;
	vm1 =	vcmask $0x300;
	v33 =	vld.idx.msk [tilespmem:v30+s3+$0x0], $0xffff  }
0x73: {  	v34 =	vimm.s32 $0x4B81;
	v32 =	vsel vm1, $0x4000, v49  }
0x74: {  	v34 =	vsel vm1, $0x4001, v34;
	v32 =	vsel vm2, $0x4080, v32  }
0x75: {  	v50 =	vsel vm2, $0x4081, v34;
	v32 =	vsel vm3, $0x4100, v32;
	vm1 =	vgt.f32 v31, $0.0e+00  }
0x76: {  	v35 =	vsel vm1, $0x3F800000, v31;
	v31 =	vsel vm4, $0x4180, v32;
	v32 =	vsel vm3, $0x4101, v50  }
0x77: {  	v31 =	vsel vm5, $0x4200, v31;
	vm1 =	vgt.f32 v33, $0.0e+00;
	v32 =	vsel vm4, $0x4181, v32  }
0x78: {  	v33 =	vsel vm1, $0x3F800000, v33;
	v51 =	vsel vm7, $0x4280, v31;
	v32 =	vsel vm5, $0x4201, v32  }
0x79: {  	v31 =	vor.u32 $0x1800, v19;
	v34 =	vsel vm6, $0x4300, v51;
	v36 =	vsel vm7, $0x4281, v32  }
0x7a: {  	v33 =	vadd.f32 v33, v35;
	v34 =	vsel vm8, $0x4380, v34;
	v52 =	vsel vm6, $0x4301, v36  }
0x7b: {  	v32 =	vor.u32 $0x1801, v19;
	v34 =	vsel vm9, $0x4800, v34;
	v35 =	vsel vm8, $0x4381, v52  }
0x7c: {  	vm1 =	vgt.f32 v33, $0.0e+00;
	v34 =	vsel vm10, $0x4880, v34;
	v55 =	vsel vm9, $0x4801, v35  }
0x7d: {  	v53 =	vsel vm1, $0x42C80000, v18;
	v54 =	vsel vm11, $0x4900, v34;
	v34 =	vsel vm10, $0x4881, v55  }
0x7e: {  	v56 =	vsub.f32 $0.0e+00, v53;
	v33 =	vsel vm12, $0x4980, v54;
	v34 =	vsel vm11, $0x4901, v34  }
0x7f: {  	v33 =	vsel vm13, $0x4A00, v33;
	v34 =	vsel vm12, $0x4981, v34  }
0x80: {  	[tilespmem:v31+s20+$0x0] =	vst.idx.msk $0xffff, v56;
	v33 =	vsel vm15, $0x4A80, v33;
	v34 =	vsel vm13, $0x4A01, v34  }
0x81: {  	s24 =	simm.s32 $0x9800;
	s26 =	rddreg [dreg:$0x6];
	[tilespmem:v32+s20+$0x0] =	vst.idx.msk $0xffff, v53;
	v33 =	vsel vm14, $0x4B00, v33;
	v34 =	vsel vm15, $0x4A81, v34  }
0x82: {  	[hbm4b:s26+s3] =	stream.linear.scatter [tilespmem:s24], [sflag:$0x3], $0x800, $0x38;
	v34 =	vsel vm14, $0x4B01, v34;
	[tilespmem:$0xC000] =	vst v63  }
0x83: {  	_ =	swait.ge [sflag:s19], $0x1000  }
0x84: {  	[sflag:s19] =	ssyncset.done $0x0  }
0x85: {  	v58 =	vimm.s32 $0x5B80;
	vm1 =	vcmask $0x300;
	[sflag:s19] =	ssyncadd.s32 $0xFFFFF000  }
0x86: {  	v38 =	vimm.s32 $0x5B81;
	v36 =	vsel vm1, $0x5000, v58;
	v57 =	vld.idx.msk [tilespmem:v33+s3+$0x0], $0xffff  }
0x87: {  	v38 =	vsel vm1, $0x5001, v38;
	v36 =	vsel vm2, $0x5080, v36;
	v37 =	vld.idx.msk [tilespmem:v34+s3+$0x0], $0xffff  }
0x88: {  	v60 =	vsel vm2, $0x5081, v38;
	v36 =	vsel vm3, $0x5100, v36  }
0x89: {  	v59 =	vsel vm4, $0x5180, v36;
	v36 =	vsel vm3, $0x5101, v60  }
0x8a: {  	v35 =	vsel vm5, $0x5200, v59;
	v36 =	vsel vm4, $0x5181, v36  }
0x8b: {  	v61 =	vsel vm7, $0x5280, v35;
	v35 =	vor.u32 $0x2000, v19;
	vm1 =	vgt.f32 v57, $0.0e+00  }
0x8c: {  	v36 =	vsel vm5, $0x5201, v36;
	v39 =	vsel vm1, $0x3F800000, v57;
	vm1 =	vgt.f32 v37, $0.0e+00  }
0x8d: {  	v38 =	vsel vm6, $0x5300, v61;
	v40 =	vsel vm7, $0x5281, v36;
	v37 =	vsel vm1, $0x3F800000, v37  }
0x8e: {  	v38 =	vsel vm8, $0x5380, v38;
	v62 =	vsel vm6, $0x5301, v40;
	v37 =	vadd.f32 v37, v39  }
0x8f: {  	v36 =	vor.u32 $0x2001, v19;
	v38 =	vsel vm9, $0x5800, v38;
	v39 =	vsel vm8, $0x5381, v62  }
0x90: {  	v38 =	vsel vm10, $0x5880, v38;
	v44 =	vsel vm9, $0x5801, v39;
	vm1 =	vgt.f32 v37, $0.0e+00  }
0x91: {  	v43 =	vsel vm11, $0x5900, v38;
	v38 =	vsel vm10, $0x5881, v44;
	v63 =	vsel vm1, $0x42C80000, v18  }
0x92: {  	v37 =	vsel vm12, $0x5980, v43;
	v38 =	vsel vm11, $0x5901, v38;
	v45 =	vsub.f32 $0.0e+00, v63  }
0x93: {  	v37 =	vsel vm13, $0x5A00, v37;
	v38 =	vsel vm12, $0x5981, v38  }
0x94: {  	v37 =	vsel vm15, $0x5A80, v37;
	v38 =	vsel vm13, $0x5A01, v38;
	[tilespmem:v35+s20+$0x0] =	vst.idx.msk $0xffff, v45  }
0x95: {  	s26 =	simm.s32 $0xA000;
	s0 =	rddreg [dreg:$0x7];
	v37 =	vsel vm14, $0x5B00, v37;
	v38 =	vsel vm15, $0x5A81, v38;
	[tilespmem:v36+s20+$0x0] =	vst.idx.msk $0xffff, v63  }
0x96: {  	v38 =	vsel vm14, $0x5B01, v38;
	[hbm4b:s0+s3] =	stream.linear.scatter [tilespmem:s26], [sflag:$0x3], $0x800, $0x38;
	[tilespmem:$0xC000] =	vst v63  }
0x97: {  	_ =	swait.ge [sflag:s21], $0x1000  }
0x98: {  	[sflag:s21] =	ssyncset.done $0x0  }
0x99: {  	v47 =	vimm.s32 $0x6B80;
	vm1 =	vcmask $0x300;
	[sflag:s21] =	ssyncadd.s32 $0xFFFFF000  }
0x9a: {  	v42 =	vimm.s32 $0x6B81;
	v40 =	vsel vm1, $0x6000, v47;
	v46 =	vld.idx.msk [tilespmem:v37+s3+$0x0], $0xffff  }
0x9b: {  	v42 =	vsel vm1, $0x6001, v42;
	v40 =	vsel vm2, $0x6080, v40;
	v41 =	vld.idx.msk [tilespmem:v38+s3+$0x0], $0xffff  }
0x9c: {  	v42 =	vsel vm2, $0x6081, v42;
	v40 =	vsel vm3, $0x6100, v40  }
0x9d: {  	v49 =	vsel vm3, $0x6101, v42;
	v48 =	vsel vm4, $0x6180, v40  }
0x9e: {  	v40 =	vsel vm4, $0x6181, v49;
	v39 =	vsel vm5, $0x6200, v48  }
0x9f: {  	v40 =	vsel vm5, $0x6201, v40;
	v50 =	vsel vm7, $0x6280, v39;
	vm1 =	vgt.f32 v46, $0.0e+00  }
0xa0: {  	v39 =	vor.u32 $0x2800, v19;
	v43 =	vsel vm1, $0x3F800000, v46;
	vm1 =	vgt.f32 v41, $0.0e+00  }
0xa1: {  	v40 =	vsel vm7, $0x6281, v40;
	v42 =	vsel vm6, $0x6300, v50;
	v41 =	vsel vm1, $0x3F800000, v41  }
0xa2: {  	v44 =	vsel vm6, $0x6301, v40;
	v42 =	vsel vm8, $0x6380, v42;
	v41 =	vadd.f32 v41, v43  }
0xa3: {  	v40 =	vor.u32 $0x2801, v19;
	v51 =	vsel vm8, $0x6381, v44;
	v42 =	vsel vm9, $0x6800, v42  }
0xa4: {  	v42 =	vsel vm10, $0x6880, v42;
	v43 =	vsel vm9, $0x6801, v51;
	vm1 =	vgt.f32 v41, $0.0e+00  }
0xa5: {  	v53 =	vsel vm11, $0x6900, v42;
	v54 =	vsel vm10, $0x6881, v43;
	v52 =	vsel vm1, $0x42C80000, v18  }
0xa6: {  	v41 =	vsel vm12, $0x6980, v53;
	v42 =	vsel vm11, $0x6901, v54;
	v55 =	vsub.f32 $0.0e+00, v52  }
0xa7: {  	v41 =	vsel vm13, $0x6A00, v41;
	v42 =	vsel vm12, $0x6981, v42  }
0xa8: {  	v41 =	vsel vm15, $0x6A80, v41;
	v42 =	vsel vm13, $0x6A01, v42;
	[tilespmem:v39+s20+$0x0] =	vst.idx.msk $0xffff, v55  }
0xa9: {  	s29 =	simm.s32 $0xA800;
	s0 =	rddreg [dreg:$0x8];
	v41 =	vsel vm14, $0x6B00, v41;
	v42 =	vsel vm15, $0x6A81, v42;
	[tilespmem:v40+s20+$0x0] =	vst.idx.msk $0xffff, v52  }
0xaa: {  	v42 =	vsel vm14, $0x6B01, v42;
	[hbm4b:s0+s3] =	stream.linear.scatter [tilespmem:s29], [sflag:$0x3], $0x800, $0x38;
	[tilespmem:$0xC000] =	vst v63  }
0xab: {  	_ =	swait.ge [sflag:s19], $0x1000  }
0xac: {  	[sflag:s19] =	ssyncset.done $0x0  }
0xad: {  	v56 =	vimm.s32 $0x7B80;
	v45 =	vimm.s32 $0x7B81;
	vm1 =	vcmask $0x300;
	[sflag:s19] =	ssyncadd.s32 $0xFFFFF000  }
0xae: {  	v43 =	vsel vm1, $0x7000, v56;
	v45 =	vsel vm1, $0x7001, v45;
	v57 =	vld.idx.msk [tilespmem:v41+s3+$0x0], $0xffff  }
0xaf: {  	v43 =	vsel vm2, $0x7080, v43;
	v45 =	vsel vm2, $0x7081, v45;
	v46 =	vld.idx.msk [tilespmem:v42+s3+$0x0], $0xffff  }
0xb0: {  	v43 =	vsel vm3, $0x7100, v43;
	v45 =	vsel vm3, $0x7101, v45  }
0xb1: {  	v43 =	vsel vm4, $0x7180, v43;
	v45 =	vsel vm4, $0x7181, v45  }
0xb2: {  	v43 =	vsel vm5, $0x7200, v43;
	v45 =	vsel vm5, $0x7201, v45  }
0xb3: {  	v47 =	vsel vm7, $0x7280, v43;
	v45 =	vsel vm7, $0x7281, v45  }
0xb4: {  	v47 =	vsel vm6, $0x7300, v47;
	vm1 =	vgt.f32 v57, $0.0e+00;
	vm2 =	vgt.f32 v46, $0.0e+00  }
0xb5: {  	v45 =	vsel vm6, $0x7301, v45;
	v44 =	vsel vm1, $0x3F800000, v57;
	v46 =	vsel vm2, $0x3F800000, v46  }
0xb6: {  	v47 =	vsel vm8, $0x7380, v47;
	v45 =	vsel vm8, $0x7381, v45;
	v46 =	vadd.f32 v46, v44  }
0xb7: {  	v43 =	vor.u32 $0x3000, v19;
	v47 =	vsel vm9, $0x7800, v47;
	v45 =	vsel vm9, $0x7801, v45  }
0xb8: {  	v47 =	vsel vm10, $0x7880, v47;
	v44 =	vor.u32 $0x3001, v19;
	vm1 =	vgt.f32 v46, $0.0e+00  }
0xb9: {  	v45 =	vsel vm10, $0x7881, v45;
	v58 =	vsel vm11, $0x7900, v47;
	v59 =	vsel vm1, $0x42C80000, v18  }
0xba: {  	v45 =	vsel vm11, $0x7901, v45;
	v46 =	vsel vm12, $0x7980, v58;
	v48 =	vsub.f32 $0.0e+00, v59  }
0xbb: {  	v45 =	vsel vm12, $0x7981, v45;
	v46 =	vsel vm13, $0x7A00, v46  }
0xbc: {  	v49 =	vsel vm13, $0x7A01, v45;
	v46 =	vsel vm15, $0x7A80, v46;
	[tilespmem:v43+s20+$0x0] =	vst.idx.msk $0xffff, v48  }
0xbd: {  	s31 =	simm.s32 $0xB000;
	s0 =	rddreg [dreg:$0x9];
	v60 =	vsel vm15, $0x7A81, v49;
	v45 =	vsel vm14, $0x7B00, v46;
	[tilespmem:v44+s20+$0x0] =	vst.idx.msk $0xffff, v59  }
0xbe: {  	v46 =	vsel vm14, $0x7B01, v60;
	[hbm4b:s0+s3] =	stream.linear.scatter [tilespmem:s31], [sflag:$0x3], $0x800, $0x38;
	[tilespmem:$0xC000] =	vst v63  }
0xbf: {  	_ =	swait.ge [sflag:s21], $0x1000  }
0xc0: {  	[sflag:s21] =	ssyncset.done $0x0  }
0xc1: {  	[sflag:s21] =	ssyncadd.s32 $0xFFFFF000  }
0xc2: {  	v61 =	vld.idx.msk [tilespmem:v45+s3+$0x0], $0xffff  }
0xc3: {  	v62 =	vld.idx.msk [tilespmem:v46+s3+$0x0], $0xffff;
	_ =	sdelay $0x4  }
0xc4: {  	vm1 =	vgt.f32 v61, $0.0e+00;
	vm2 =	vgt.f32 v62, $0.0e+00  }
0xc5: {  	v47 =	vsel vm1, $0x3F800000, v61;
	v48 =	vsel vm2, $0x3F800000, v62  }
0xc6: {  	v63 =	vadd.f32 v48, v47  }
0xc7: {  	v47 =	vor.u32 $0x3800, v19  }
0xc8: {  	v48 =	vor.u32 $0x3801, v19;
	vm1 =	vgt.f32 v63, $0.0e+00  }
0xc9: {  	v49 =	vsel vm1, $0x42C80000, v18  }
0xca: {  	v50 =	vsub.f32 $0.0e+00, v49;
	_ =	sdelay $0x1  }
0xcb: {  	s0 =	sshll.u32 s30, $0x4;
	[tilespmem:v47+s20+$0x0] =	vst.idx.msk $0xffff, v50  }
0xcc: {  	s1 =	simm.s32 $0xB800;
	s30 =	sadd.s32 s28, s0;
	s28 =	simm.s32 $0x3;
	[tilespmem:v48+s20+$0x0] =	vst.idx.msk $0xffff, v49  }
0xcd: {  	[hbm4b:s30+s3] =	stream.linear.scatter [tilespmem:s1], [sflag:$0x3], $0x800, $0x38;
	[tilespmem:$0xC000] =	vst v63  }
0xce: {  	_ =	swait.ge [sflag:s28], $0x800  }
0xcf: {  	[sflag:s28] =	ssyncset.done $0x0  }
0xd0: {  	[sflag:s28] =	ssyncadd.s32 $0xFFFFF800  }
0xd1: {  	_ =	swait.ge [sflag:s28], $0x800  }
0xd2: {  	[sflag:s28] =	ssyncset.done $0x0  }
0xd3: {  	s25 =	ssub.s32 $0x2, s25;
	[sflag:s28] =	ssyncadd.s32 $0xFFFFF800  }
0xd4: {  	s0 =	sshrl.u32 s25, $0x1;
	_ =	swait.ge [sflag:s28], $0x800  }
0xd5: {  	s0 =	ssub.s32 s25, s0;
	[sflag:s28] =	ssyncset.done $0x0  }
0xd6: {  	s0 =	smax.u32 s0, $0x1;
	[sflag:s28] =	ssyncadd.s32 $0xFFFFF800  }
0xd7: {  	p0 =	sne.s32 s0, $0x1;
	_ =	swait.ge [sflag:s28], $0x800  }
.Ltmp0:
0xd8: {  	[sflag:s28] =	ssyncset.done $0x0;
	(pc) =	sbr.rel @!p0 .LBB2_2-.Ltmp0, $4  }
0xd9: {  	[sflag:s28] =	ssyncadd.s32 $0xFFFFF800  }
0xda: {  	_ =	swait.ge [sflag:s28], $0x800  }
0xdb: {  	[sflag:s28] =	ssyncset.done $0x0  }
0xdc: {  	s25 =	sadd.s32 $0xFFFFFFFF, s0;
	[sflag:s28] =	ssyncadd.s32 $0xFFFFF800  }
.LBB2_1:
0xdd: {  	_ =	swait.ge [sflag:s28], $0x800  }
0xde: {  	[sflag:s28] =	ssyncset.done $0x0  }
0xdf: {  	[sflag:s28] =	ssyncadd.s32 $0xFFFFF800  }
0xe0: {  	_ =	swait.ge [sflag:s28], $0x800  }
0xe1: {  	[sflag:s28] =	ssyncset.done $0x0  }
0xe2: {  	[sflag:s28] =	ssyncadd.s32 $0xFFFFF800  }
0xe3: {  	_ =	swait.ge [sflag:s28], $0x800  }
0xe4: {  	[sflag:s28] =	ssyncset.done $0x0  }
0xe5: {  	[sflag:s28] =	ssyncadd.s32 $0xFFFFF800  }
0xe6: {  	[tilespmem:s3], [sflag:$0x1] =	stream.indirect_vreg.gather [hbm4b:s2+s3], $0x80, v0, vm0, $0xb8;
	[tilespmem:$0xC000] =	vst v63  }
0xe7: {  	_ = 	snop  }
0xe8: {  	[tilespmem:s4], [sflag:$0x1] =	stream.indirect_vreg.gather [hbm4b:s2+s3], $0x80, v1, vm0, $0xb8;
	[tilespmem:$0xC000] =	vst v63  }
0xe9: {  	_ = 	snop  }
0xea: {  	[tilespmem:s5], [sflag:$0x2] =	stream.indirect_vreg.gather [hbm4b:s2+s3], $0x80, v2, vm0, $0xb8;
	[tilespmem:$0xC000] =	vst v63  }
0xeb: {  	_ = 	snop  }
0xec: {  	[tilespmem:s6], [sflag:$0x2] =	stream.indirect_vreg.gather [hbm4b:s2+s3], $0x80, v3, vm0, $0xb8;
	[tilespmem:$0xC000] =	vst v63  }
0xed: {  	_ = 	snop  }
0xee: {  	[tilespmem:s7], [sflag:$0x1] =	stream.indirect_vreg.gather [hbm4b:s2+s3], $0x80, v4, vm0, $0xb8;
	[tilespmem:$0xC000] =	vst v63  }
0xef: {  	_ = 	snop  }
0xf0: {  	[tilespmem:s8], [sflag:$0x1] =	stream.indirect_vreg.gather [hbm4b:s2+s3], $0x80, v5, vm0, $0xb8;
	[tilespmem:$0xC000] =	vst v63  }
0xf1: {  	_ = 	snop  }
0xf2: {  	[tilespmem:s9], [sflag:$0x2] =	stream.indirect_vreg.gather [hbm4b:s2+s3], $0x80, v6, vm0, $0xb8;
	[tilespmem:$0xC000] =	vst v63  }
0xf3: {  	_ = 	snop  }
0xf4: {  	[tilespmem:s10], [sflag:$0x2] =	stream.indirect_vreg.gather [hbm4b:s2+s3], $0x80, v7, vm0, $0xb8;
	[tilespmem:$0xC000] =	vst v63  }
0xf5: {  	_ = 	snop  }
0xf6: {  	[tilespmem:s11], [sflag:$0x1] =	stream.indirect_vreg.gather [hbm4b:s2+s3], $0x80, v8, vm0, $0xb8;
	[tilespmem:$0xC000] =	vst v63  }
0xf7: {  	_ = 	snop  }
0xf8: {  	[tilespmem:s12], [sflag:$0x1] =	stream.indirect_vreg.gather [hbm4b:s2+s3], $0x80, v9, vm0, $0xb8;
	[tilespmem:$0xC000] =	vst v63  }
0xf9: {  	_ = 	snop  }
0xfa: {  	[tilespmem:s13], [sflag:$0x2] =	stream.indirect_vreg.gather [hbm4b:s2+s3], $0x80, v10, vm0, $0xb8;
	[tilespmem:$0xC000] =	vst v63  }
0xfb: {  	_ = 	snop  }
0xfc: {  	[tilespmem:s14], [sflag:$0x2] =	stream.indirect_vreg.gather [hbm4b:s2+s3], $0x80, v11, vm0, $0xb8;
	[tilespmem:$0xC000] =	vst v63  }
0xfd: {  	_ = 	snop  }
0xfe: {  	[tilespmem:s15], [sflag:$0x1] =	stream.indirect_vreg.gather [hbm4b:s2+s3], $0x80, v12, vm0, $0xb8;
	[tilespmem:$0xC000] =	vst v63  }
0xff: {  	_ = 	snop  }
0x100: {  	[tilespmem:s16], [sflag:$0x1] =	stream.indirect_vreg.gather [hbm4b:s2+s3], $0x80, v13, vm0, $0xb8;
	[tilespmem:$0xC000] =	vst v63  }
0x101: {  	_ = 	snop  }
0x102: {  	[tilespmem:s17], [sflag:$0x2] =	stream.indirect_vreg.gather [hbm4b:s2+s3], $0x80, v14, vm0, $0xb8;
	[tilespmem:$0xC000] =	vst v63  }
0x103: {  	_ = 	snop  }
0x104: {  	[tilespmem:s18], [sflag:$0x2] =	stream.indirect_vreg.gather [hbm4b:s2+s3], $0x80, v15, vm0, $0xb8;
	[tilespmem:$0xC000] =	vst v63  }
0x105: {  	_ =	swait.ge [sflag:s19], $0x1000  }
0x106: {  	[sflag:s19] =	ssyncset.done $0x0  }
0x107: {  	[sflag:s19] =	ssyncadd.s32 $0xFFFFF000  }
0x108: {  	v49 =	vld.idx.msk [tilespmem:v16+s3+$0x0], $0xffff  }
0x109: {  	v50 =	vld.idx.msk [tilespmem:v17+s3+$0x0], $0xffff;
	_ =	sdelay $0x3  }
0x10a: {  	vm1 =	vgt.f32 v49, $0.0e+00  }
0x10b: {  	v49 =	vsel vm1, $0x3F800000, v49;
	vm1 =	vgt.f32 v50, $0.0e+00  }
0x10c: {  	v50 =	vsel vm1, $0x3F800000, v50  }
0x10d: {  	v49 =	vadd.f32 v50, v49;
	_ =	sdelay $0x1  }
0x10e: {  	vm1 =	vgt.f32 v49, $0.0e+00  }
0x10f: {  	v49 =	vsel vm1, $0x42C80000, v18  }
0x110: {  	v54 =	vsub.f32 $0.0e+00, v49;
	_ =	sdelay $0x1  }
0x111: {  	[tilespmem:v19+s20+$0x0] =	vst.idx.msk $0xffff, v54  }
0x112: {  	s0 =	rddreg [dreg:$0x3];
	[tilespmem:v20+s20+$0x0] =	vst.idx.msk $0xffff, v49  }
0x113: {  	[hbm4b:s0+s3] =	stream.linear.scatter [tilespmem:s20], [sflag:$0x3], $0x800, $0x38;
	[tilespmem:$0xC000] =	vst v63  }
0x114: {  	_ =	swait.ge [sflag:s21], $0x1000  }
0x115: {  	[sflag:s21] =	ssyncset.done $0x0  }
0x116: {  	[sflag:s21] =	ssyncadd.s32 $0xFFFFF000  }
0x117: {  	v55 =	vld.idx.msk [tilespmem:v21+s3+$0x0], $0xffff  }
0x118: {  	v56 =	vld.idx.msk [tilespmem:v22+s3+$0x0], $0xffff;
	_ =	sdelay $0x3  }
0x119: {  	vm1 =	vgt.f32 v55, $0.0e+00  }
0x11a: {  	v49 =	vsel vm1, $0x3F800000, v55;
	vm1 =	vgt.f32 v56, $0.0e+00  }
0x11b: {  	v50 =	vsel vm1, $0x3F800000, v56  }
0x11c: {  	v49 =	vadd.f32 v50, v49;
	_ =	sdelay $0x1  }
0x11d: {  	vm1 =	vgt.f32 v49, $0.0e+00  }
0x11e: {  	v49 =	vsel vm1, $0x42C80000, v18  }
0x11f: {  	v57 =	vsub.f32 $0.0e+00, v49;
	_ =	sdelay $0x1  }
0x120: {  	[tilespmem:v23+s20+$0x0] =	vst.idx.msk $0xffff, v57  }
0x121: {  	s0 =	rddreg [dreg:$0x4];
	[tilespmem:v24+s20+$0x0] =	vst.idx.msk $0xffff, v49  }
0x122: {  	[hbm4b:s0+s3] =	stream.linear.scatter [tilespmem:s22], [sflag:$0x3], $0x800, $0x38;
	[tilespmem:$0xC000] =	vst v63  }
0x123: {  	_ =	swait.ge [sflag:s19], $0x1000  }
0x124: {  	[sflag:s19] =	ssyncset.done $0x0  }
0x125: {  	[sflag:s19] =	ssyncadd.s32 $0xFFFFF000  }
0x126: {  	v58 =	vld.idx.msk [tilespmem:v25+s3+$0x0], $0xffff  }
0x127: {  	v59 =	vld.idx.msk [tilespmem:v26+s3+$0x0], $0xffff;
	_ =	sdelay $0x3  }
0x128: {  	vm1 =	vgt.f32 v58, $0.0e+00  }
0x129: {  	v49 =	vsel vm1, $0x3F800000, v58;
	vm1 =	vgt.f32 v59, $0.0e+00  }
0x12a: {  	v50 =	vsel vm1, $0x3F800000, v59  }
0x12b: {  	v49 =	vadd.f32 v50, v49;
	_ =	sdelay $0x1  }
0x12c: {  	vm1 =	vgt.f32 v49, $0.0e+00  }
0x12d: {  	v49 =	vsel vm1, $0x42C80000, v18  }
0x12e: {  	v60 =	vsub.f32 $0.0e+00, v49;
	_ =	sdelay $0x1  }
0x12f: {  	[tilespmem:v27+s20+$0x0] =	vst.idx.msk $0xffff, v60  }
0x130: {  	s0 =	rddreg [dreg:$0x5];
	[tilespmem:v28+s20+$0x0] =	vst.idx.msk $0xffff, v49  }
0x131: {  	[hbm4b:s0+s3] =	stream.linear.scatter [tilespmem:s23], [sflag:$0x3], $0x800, $0x38;
	[tilespmem:$0xC000] =	vst v63  }
0x132: {  	_ =	swait.ge [sflag:s21], $0x1000  }
0x133: {  	[sflag:s21] =	ssyncset.done $0x0  }
0x134: {  	[sflag:s21] =	ssyncadd.s32 $0xFFFFF000  }
0x135: {  	v61 =	vld.idx.msk [tilespmem:v29+s3+$0x0], $0xffff  }
0x136: {  	v62 =	vld.idx.msk [tilespmem:v30+s3+$0x0], $0xffff;
	_ =	sdelay $0x3  }
0x137: {  	vm1 =	vgt.f32 v61, $0.0e+00  }
0x138: {  	v49 =	vsel vm1, $0x3F800000, v61;
	vm1 =	vgt.f32 v62, $0.0e+00  }
0x139: {  	v50 =	vsel vm1, $0x3F800000, v62  }
0x13a: {  	v49 =	vadd.f32 v50, v49;
	_ =	sdelay $0x1  }
0x13b: {  	vm1 =	vgt.f32 v49, $0.0e+00  }
0x13c: {  	v49 =	vsel vm1, $0x42C80000, v18  }
0x13d: {  	v63 =	vsub.f32 $0.0e+00, v49;
	_ =	sdelay $0x1  }
0x13e: {  	[tilespmem:v31+s20+$0x0] =	vst.idx.msk $0xffff, v63  }
0x13f: {  	s0 =	rddreg [dreg:$0x6];
	[tilespmem:v32+s20+$0x0] =	vst.idx.msk $0xffff, v49  }
0x140: {  	[hbm4b:s0+s3] =	stream.linear.scatter [tilespmem:s24], [sflag:$0x3], $0x800, $0x38;
	[tilespmem:$0xC000] =	vst v63  }
0x141: {  	_ =	swait.ge [sflag:s19], $0x1000  }
0x142: {  	[sflag:s19] =	ssyncset.done $0x0  }
0x143: {  	[sflag:s19] =	ssyncadd.s32 $0xFFFFF000  }
0x144: {  	v52 =	vld.idx.msk [tilespmem:v33+s3+$0x0], $0xffff  }
0x145: {  	v53 =	vld.idx.msk [tilespmem:v34+s3+$0x0], $0xffff;
	_ =	sdelay $0x3  }
0x146: {  	vm1 =	vgt.f32 v52, $0.0e+00  }
0x147: {  	v49 =	vsel vm1, $0x3F800000, v52;
	vm1 =	vgt.f32 v53, $0.0e+00  }
0x148: {  	v50 =	vsel vm1, $0x3F800000, v53  }
0x149: {  	v49 =	vadd.f32 v50, v49;
	_ =	sdelay $0x1  }
0x14a: {  	vm1 =	vgt.f32 v49, $0.0e+00  }
0x14b: {  	v49 =	vsel vm1, $0x42C80000, v18  }
0x14c: {  	v54 =	vsub.f32 $0.0e+00, v49;
	_ =	sdelay $0x1  }
0x14d: {  	[tilespmem:v35+s20+$0x0] =	vst.idx.msk $0xffff, v54  }
0x14e: {  	s0 =	rddreg [dreg:$0x7];
	[tilespmem:v36+s20+$0x0] =	vst.idx.msk $0xffff, v49  }
0x14f: {  	[hbm4b:s0+s3] =	stream.linear.scatter [tilespmem:s26], [sflag:$0x3], $0x800, $0x38;
	[tilespmem:$0xC000] =	vst v63  }
0x150: {  	_ =	swait.ge [sflag:s21], $0x1000  }
0x151: {  	[sflag:s21] =	ssyncset.done $0x0  }
0x152: {  	[sflag:s21] =	ssyncadd.s32 $0xFFFFF000  }
0x153: {  	v55 =	vld.idx.msk [tilespmem:v37+s3+$0x0], $0xffff  }
0x154: {  	v56 =	vld.idx.msk [tilespmem:v38+s3+$0x0], $0xffff;
	_ =	sdelay $0x3  }
0x155: {  	vm1 =	vgt.f32 v55, $0.0e+00  }
0x156: {  	v49 =	vsel vm1, $0x3F800000, v55;
	vm1 =	vgt.f32 v56, $0.0e+00  }
0x157: {  	v50 =	vsel vm1, $0x3F800000, v56  }
0x158: {  	v49 =	vadd.f32 v50, v49;
	_ =	sdelay $0x1  }
0x159: {  	vm1 =	vgt.f32 v49, $0.0e+00  }
0x15a: {  	v49 =	vsel vm1, $0x42C80000, v18  }
0x15b: {  	v57 =	vsub.f32 $0.0e+00, v49;
	_ =	sdelay $0x1  }
0x15c: {  	[tilespmem:v39+s20+$0x0] =	vst.idx.msk $0xffff, v57  }
0x15d: {  	s0 =	rddreg [dreg:$0x8];
	[tilespmem:v40+s20+$0x0] =	vst.idx.msk $0xffff, v49  }
0x15e: {  	[hbm4b:s0+s3] =	stream.linear.scatter [tilespmem:s29], [sflag:$0x3], $0x800, $0x38;
	[tilespmem:$0xC000] =	vst v63  }
0x15f: {  	_ =	swait.ge [sflag:s19], $0x1000  }
0x160: {  	[sflag:s19] =	ssyncset.done $0x0  }
0x161: {  	[sflag:s19] =	ssyncadd.s32 $0xFFFFF000  }
0x162: {  	v58 =	vld.idx.msk [tilespmem:v41+s3+$0x0], $0xffff  }
0x163: {  	v59 =	vld.idx.msk [tilespmem:v42+s3+$0x0], $0xffff;
	_ =	sdelay $0x3  }
0x164: {  	vm1 =	vgt.f32 v58, $0.0e+00  }
0x165: {  	v49 =	vsel vm1, $0x3F800000, v58;
	vm1 =	vgt.f32 v59, $0.0e+00  }
0x166: {  	v50 =	vsel vm1, $0x3F800000, v59  }
0x167: {  	v49 =	vadd.f32 v50, v49;
	_ =	sdelay $0x1  }
0x168: {  	vm1 =	vgt.f32 v49, $0.0e+00  }
0x169: {  	v49 =	vsel vm1, $0x42C80000, v18  }
0x16a: {  	v60 =	vsub.f32 $0.0e+00, v49;
	_ =	sdelay $0x1  }
0x16b: {  	[tilespmem:v43+s20+$0x0] =	vst.idx.msk $0xffff, v60  }
0x16c: {  	s0 =	rddreg [dreg:$0x9];
	[tilespmem:v44+s20+$0x0] =	vst.idx.msk $0xffff, v49  }
0x16d: {  	[hbm4b:s0+s3] =	stream.linear.scatter [tilespmem:s31], [sflag:$0x3], $0x800, $0x38;
	[tilespmem:$0xC000] =	vst v63  }
0x16e: {  	_ =	swait.ge [sflag:s21], $0x1000  }
0x16f: {  	[sflag:s21] =	ssyncset.done $0x0  }
0x170: {  	[sflag:s21] =	ssyncadd.s32 $0xFFFFF000  }
0x171: {  	v61 =	vld.idx.msk [tilespmem:v45+s3+$0x0], $0xffff  }
0x172: {  	v62 =	vld.idx.msk [tilespmem:v46+s3+$0x0], $0xffff;
	_ =	sdelay $0x3  }
0x173: {  	vm1 =	vgt.f32 v61, $0.0e+00  }
0x174: {  	v49 =	vsel vm1, $0x3F800000, v61;
	vm1 =	vgt.f32 v62, $0.0e+00  }
0x175: {  	v50 =	vsel vm1, $0x3F800000, v62  }
0x176: {  	v49 =	vadd.f32 v50, v49;
	_ =	sdelay $0x1  }
0x177: {  	vm1 =	vgt.f32 v49, $0.0e+00  }
0x178: {  	v49 =	vsel vm1, $0x42C80000, v18  }
0x179: {  	v63 =	vsub.f32 $0.0e+00, v49;
	_ =	sdelay $0x1  }
0x17a: {  	[tilespmem:v47+s20+$0x0] =	vst.idx.msk $0xffff, v63  }
0x17b: {  	[tilespmem:v48+s20+$0x0] =	vst.idx.msk $0xffff, v49  }
0x17c: {  	[hbm4b:s30+s3] =	stream.linear.scatter [tilespmem:s1], [sflag:$0x3], $0x800, $0x38;
	[tilespmem:$0xC000] =	vst v63  }
0x17d: {  	_ =	swait.ge [sflag:s28], $0x800  }
0x17e: {  	[sflag:s28] =	ssyncset.done $0x0  }
0x17f: {  	[sflag:s28] =	ssyncadd.s32 $0xFFFFF800  }
0x180: {  	_ =	swait.ge [sflag:s28], $0x800  }
0x181: {  	[sflag:s28] =	ssyncset.done $0x0  }
0x182: {  	[sflag:s28] =	ssyncadd.s32 $0xFFFFF800  }
0x183: {  	_ =	swait.ge [sflag:s28], $0x800  }
0x184: {  	[sflag:s28] =	ssyncset.done $0x0  }
0x185: {  	[sflag:s28] =	ssyncadd.s32 $0xFFFFF800  }
0x186: {  	p0 =	sne.s32 s25, $0x1;
	_ =	swait.ge [sflag:s28], $0x800  }
.Ltmp1:
0x187: {  	[sflag:s28] =	ssyncset.done $0x0;
	(pc) =	sbr.rel @p0 .LBB2_1-.Ltmp1, $4  }
0x188: {  	[sflag:s28] =	ssyncadd.s32 $0xFFFFF800  }
0x189: {  	_ =	swait.ge [sflag:s28], $0x800  }
0x18a: {  	[sflag:s28] =	ssyncset.done $0x0  }
0x18b: {  	s25 =	sadd.s32 $0xFFFFFFFF, s25;
	[sflag:s28] =	ssyncadd.s32 $0xFFFFF800  }
.LBB2_2:
0x18c: {  	_ =	swait.ge [sflag:s28], $0x800  }
0x18d: {  	[sflag:s28] =	ssyncset.done $0x0  }
0x18e: {  	[sflag:s28] =	ssyncadd.s32 $0xFFFFF800  }
0x18f: {  	_ =	swait.ge [sflag:s28], $0x800  }
0x190: {  	[sflag:s28] =	ssyncset.done $0x0  }
0x191: {  	[sflag:s28] =	ssyncadd.s32 $0xFFFFF800  }
0x192: {  	_ =	swait.ge [sflag:s28], $0x800  }
0x193: {  	[sflag:s28] =	ssyncset.done $0x0  }
0x194: {  	[sflag:s28] =	ssyncadd.s32 $0xFFFFF800  }
0x195: {  	_ =	sfence.sel $0x180000  }
0x196: {  	[bflag:$0x0] =	sbarrier.arrive $0xFFFF  }
0x197: {  	_ =	strace $0x90000047  }
0x198: {  	s0 =	stileid.u32;
	[bflag:$0x2] =	sbarrier.arrive $0xFFFF  }
0x199: {  	p0 =	sne.s32 s0, $0x0;
	s0 =	rddreg [dreg:$0x2]  }
0x19a: {  	s0 =	sadd.s32 @!p0 $0x100000, s0  }
0x19b: {  	[sflag:s0] =	ssyncadd.tile.s32 @!p0 $0x1;
	_ =	shalt  }
.Lfunc_end2:
_tile_overlayer_lowered:
.L_overlay_start_2:
0x19c: {  	(tag) =	ssettag $0x2  }
0x19d: {  	s0 =	rddreg [dreg:$0x0];
	s2 =	stileid.u32  }
0x19e: {  	s1 =	rddreg [dreg:$0x1];
	p0 =	sne.s32 s2, $0x0  }
0x19f: {  	s3 =	rddreg [dreg:$0x2];
	[bflag:$0x3] =	sbarrier.arrive $0xFFFF;
	s2 =	simm.s32 @!p0 $0x1C04  }
0x1a0: {  	[timem:s3], [sflag:s2] =	dma.local @!p0 [hbm:s0], s1  }
0x1a1: {  	s0 =	simm.s32 @!p0 $0x4  }
0x1a2: {  	_ =	swait.ge @!p0 [sflag:s0], s1  }
0x1a3: {  	s1 =	ssub.s32 @!p0 $0x0, s1;
	[sflag:s0] =	ssyncset.done @!p0 $0x0  }
0x1a4: {  	[sflag:s0] =	ssyncadd.s32 @!p0 s1  }
0x1a5: {  	[bflag:$0x3] =	sbarrier.arrive $0xFFFF  }
0x1a6: {  	_ =	shalt  }

</sc_bundles>
